<compile_context>
chip_gen: v7x
topology: tpu7x:2x2x1
jax: 0.10.2.dev20260603
libtpu: 0.0.44.dev20260713+nightly
codegen_flags: <defaults>
</compile_context>

<pallas_src>
import jax
import jax.numpy as jnp
from jax import lax
from jax.experimental import pallas as pl
from jax.experimental.pallas import tpu as pltpu
from jax.experimental.pallas import tpu_sc as plsc

N = 640000
D = 16
HIST = 100
ALPHA = 0.4
BETA = 0.4
GAMMA = 0.2
DECAY = 0.99

B = 25600
NB = N // B

NW = 32
CHUNK = 6400
NCH = N // CHUNK
NFULL = 12
FULL_JOBS = NFULL * NCH
NBUF = 2


def _sc_hist(hist_hbm, w_hbm, out_hbm, buf0, buf1,
             si0, si1, so0, so1):
    wid = lax.axis_index("s") * 2 + lax.axis_index("c")
    bufs = (buf0, buf1)
    sin = (si0, si1)
    sout = (so0, so1)

    def _in(j, p):
        stripe = j // NCH
        col = (j % NCH) * CHUNK
        o = pl.multiple_of(stripe * 8, 8)
        return pltpu.make_async_copy(
            hist_hbm.at[pl.ds(o, 8), pl.ds(col, CHUNK)], bufs[p], sin[p])

    def _out(j, p):
        stripe = j // NCH
        col = (j % NCH) * CHUNK
        o = pl.multiple_of(stripe * 8, 8)
        return pltpu.make_async_copy(
            bufs[p], out_hbm.at[pl.ds(o, 8), pl.ds(col, CHUNK)], sout[p])

    def _fix_row0(j, p):
        @pl.when(j // NCH == 0)
        def _():
            col = (j % NCH) * CHUNK
            pltpu.async_copy(w_hbm.at[pl.ds(col, CHUNK)],
                             bufs[p].at[0], sin[p]).wait()

    @pl.when(wid < FULL_JOBS)
    def _prime():
        _in(wid, 0).start()

    def pair(g, carry):
        for p in range(NBUF):
            k = NBUF * g + p
            j = wid + NW * k

            @pl.when(j < FULL_JOBS)
            def _(j=j, p=p, k=k):
                _in(j, p).wait()
                _fix_row0(j, p)
                _out(j, p).start()
                q = 1 - p
                jprev = j - NW

                @pl.when(jprev >= 0)
                def _():
                    _out(jprev, q).wait()

                jnext = j + NW

                @pl.when(jnext < FULL_JOBS)
                def _():
                    _in(jnext, q).start()
        return carry

    npairs = (FULL_JOBS // NW + NBUF - 1) // NBUF
    lax.fori_loop(0, npairs, pair, 0)

    npairs_total = ((FULL_JOBS + NW - 1) // NW + NBUF - 1) // NBUF
    for k in (NBUF * npairs_total - 2, NBUF * npairs_total - 1):
        j_k = wid + NW * k

        @pl.when((j_k < FULL_JOBS) & (j_k + NW >= FULL_JOBS))
        def _drain(j_k=j_k, k=k):
            _out(j_k, k % NBUF).wait()

    def tail_body(k, carry):
        j = wid + NW * k

        @pl.when(j < NCH)
        def _():
            col = j * CHUNK
            pltpu.async_copy(
                hist_hbm.at[pl.ds(96, 4), pl.ds(col, CHUNK)],
                buf0.at[pl.ds(0, 4)], si0).wait()
            pltpu.async_copy(
                buf0.at[pl.ds(0, 4)],
                out_hbm.at[pl.ds(96, 4), pl.ds(col, CHUNK)], si0).wait()
        return carry

    lax.fori_loop(0, (NCH + NW - 1) // NW, tail_body, 0)


def _tc_body(g_ref, s_ref, t_ref, ge_ref, fe_ref,
             nge_ref, nfe_ref, u_ref, nge_s, nfe_s, smax):
    i = pl.program_id(0)

    @pl.when(i < NB)
    def _phase1():
        nge = DECAY * ge_ref[...] + (1.0 - DECAY) * jnp.abs(g_ref[...])
        nge_ref[...] = nge
        nge_s[pl.ds(i * B, B)] = nge
        bmax = jnp.max(nge)
        prev = jnp.where(i == 0, 0.0, smax[0])
        smax[0] = jnp.maximum(prev, bmax)

        s = s_ref[...]
        t = t_ref[...]
        sum_s = jnp.sum(s, axis=0)
        sum_t = jnp.sum(t, axis=0)
        sum_st = jnp.sum(s * t, axis=0)
        sum_ss = jnp.sum(s * s, axis=0)
        sum_tt = jnp.sum(t * t, axis=0)
        cov = sum_st - sum_s * sum_t * (1.0 / D)
        var_s = sum_ss - sum_s * sum_s * (1.0 / D)
        var_t = sum_tt - sum_t * sum_t * (1.0 / D)
        corr = cov / ((jnp.sqrt(var_s) + 1e-6) * (jnp.sqrt(var_t) + 1e-6))
        nfe = DECAY * fe_ref[...] + (1.0 - DECAY) * jnp.abs(corr)
        nfe_ref[...] = nfe
        nfe_s[pl.ds(i * B, B)] = nfe

    @pl.when(i >= NB)
    def _phase2():
        j = i - NB
        m = smax[0]
        u_ref[...] = (ALPHA / (m + 1e-6)) * nge_s[pl.ds(j * B, B)] \
            + (BETA * nfe_s[pl.ds(j * B, B)] + GAMMA)


def kernel(gradients, source_activations, target_activations, weights,
           gradient_ema, flow_ema, weight_history):
    sc_copy = pl.kernel(
        _sc_hist,
        out_type=jax.ShapeDtypeStruct((HIST, N), jnp.float32),
        mesh=plsc.VectorSubcoreMesh(core_axis_name="c", subcore_axis_name="s"),
        scratch_types=[pltpu.VMEM((8, CHUNK), jnp.float32),
                       pltpu.VMEM((8, CHUNK), jnp.float32),
                       pltpu.SemaphoreType.DMA, pltpu.SemaphoreType.DMA,
                       pltpu.SemaphoreType.DMA, pltpu.SemaphoreType.DMA],
    )
    nhist = sc_copy(weight_history, weights)

    sT = source_activations.T
    tT = target_activations.T

    clamp = lambda i: (jnp.minimum(i, NB - 1),)
    clamp2 = lambda i: (0, jnp.minimum(i, NB - 1))
    nge, nfe, utility = pl.pallas_call(
        _tc_body,
        grid=(2 * NB,),
        in_specs=[
            pl.BlockSpec((B,), clamp),
            pl.BlockSpec((D, B), clamp2),
            pl.BlockSpec((D, B), clamp2),
            pl.BlockSpec((B,), clamp),
            pl.BlockSpec((B,), clamp),
        ],
        out_specs=[
            pl.BlockSpec((B,), clamp),
            pl.BlockSpec((B,), clamp),
            pl.BlockSpec((B,), lambda i: (jnp.maximum(i - NB, 0),)),
        ],
        out_shape=[
            jax.ShapeDtypeStruct((N,), jnp.float32),
            jax.ShapeDtypeStruct((N,), jnp.float32),
            jax.ShapeDtypeStruct((N,), jnp.float32),
        ],
        scratch_shapes=[
            pltpu.VMEM((N,), jnp.float32),
            pltpu.VMEM((N,), jnp.float32),
            pltpu.SMEM((1,), jnp.float32),
        ],
    )(gradients, sT, tT, gradient_ema, flow_ema)

    return (utility, nge, nfe, nhist)

# --- scband reference (transcript-rebuilt; emitter-appended) ---
"""Pipeline reference for scband-edge-utility-tracker-82867099009079 (READ-ONLY COPY).

The authoritative reference and input builder live on the scoring server;
editing this copy changes nothing except your own understanding.
"""

import jax, jax.numpy as jnp
import numpy as np

NUM_EDGES = 640000
DIM = 16
HIST = 100
ALPHA = 0.4
BETA = 0.4
GAMMA = 0.2
DECAY = 0.99


def setup_inputs(seed: int = 0) -> dict:
    key = jax.random.key(seed)
    k1, k2, k3, k4 = jax.random.split(key, 4)
    return {
        "gradients": jax.random.normal(k1, (NUM_EDGES,), dtype=jnp.float32),
        "source_activations": jax.random.normal(k2, (NUM_EDGES, DIM), dtype=jnp.float32),
        "target_activations": jax.random.normal(k3, (NUM_EDGES, DIM), dtype=jnp.float32),
        "weights": jax.random.normal(k4, (NUM_EDGES,), dtype=jnp.float32),
        # module buffers (registered buffers in the torch module, initial state)
        "gradient_ema": jnp.zeros((NUM_EDGES,), dtype=jnp.float32),
        "flow_ema": jnp.zeros((NUM_EDGES,), dtype=jnp.float32),
        "weight_history": jnp.zeros((HIST, NUM_EDGES), dtype=jnp.float32),
    }


def reference(gradients, source_activations, target_activations, weights,
              gradient_ema, flow_ema, weight_history):
    # update_gradient_sensitivity
    new_gradient_ema = DECAY * gradient_ema + (1.0 - DECAY) * jnp.abs(gradients)

    # update_information_flow (per-edge Pearson correlation)
    source_norm = source_activations - source_activations.mean(axis=-1, keepdims=True)
    target_norm = target_activations - target_activations.mean(axis=-1, keepdims=True)
    cov = (source_norm * target_norm).sum(axis=-1)
    source_std = jnp.sqrt(jnp.power(source_norm, 2).sum(axis=-1)) + 1e-06
    target_std = jnp.sqrt(jnp.power(target_norm, 2).sum(axis=-1)) + 1e-06
    correlation = cov / (source_std * target_std)
    new_flow_ema = DECAY * flow_ema + (1.0 - DECAY) * jnp.abs(correlation)

    # update_stability: history_ptr = 0 -> write into row 0 (scatter-overwrite)
    new_weight_history = weight_history.at[0].set(weights)
    # after the write history_ptr = 1 < 10 and not filled -> stability = ones
    S = jnp.ones((NUM_EDGES,), dtype=jnp.float32)

    # compute_utility
    G = new_gradient_ema / (new_gradient_ema.max() + 1e-06)
    I = new_flow_ema
    utility = ALPHA * G + BETA * I + GAMMA * S
    return (utility, new_gradient_ema, new_flow_ema, new_weight_history)

if __name__ == "__main__":
    import jax
    _d = setup_inputs()
    print(jax.jit(kernel)(*tuple(_d.values())))

</pallas_src>

<mosaic_0001>
#map = affine_map<(d0, d1) -> (0, 0)>
#map1 = affine_map<(d0, d1) -> (0)>
module attributes {stable_mosaic.version = 14 : i64} {
  func.func @_sc_hist(%arg0: i32, %arg1: i32, %arg2: memref<100x640000xf32, #tpu.memory_space<hbm>>, %arg3: memref<640000xf32, #tpu.memory_space<hbm>>, %arg4: memref<100x640000xf32, #tpu.memory_space<hbm>>, %arg5: memref<8x6400xf32, #tpu.memory_space<vmem>>, %arg6: memref<8x6400xf32, #tpu.memory_space<vmem>>, %arg7: memref<!tpu.dma_semaphore, #tpu.memory_space<semaphore_mem>>, %arg8: memref<!tpu.dma_semaphore, #tpu.memory_space<semaphore_mem>>, %arg9: memref<!tpu.dma_semaphore, #tpu.memory_space<semaphore_mem>>, %arg10: memref<!tpu.dma_semaphore, #tpu.memory_space<semaphore_mem>>) attributes {dimension_semantics = [#tpu.dimension_semantics<core_parallel>, #tpu.dimension_semantics<subcore_parallel>], iteration_bounds = array<i64: 2, 16>, scalar_prefetch = 0 : i64, scratch_operands = 6 : i64, tpu.core_type = #tpu.core_type<sc_vector_subcore>, window_params = [{transform_indices = #map}, {transform_indices = #map1}, {transform_indices = #map}]} {
    %mul3A = arith.constant 2 : i32
    %mul3A_0 = arith.muli %arg1, %mul3A : i32
    %add3A = arith.addi %mul3A_0, %arg0 : i32
    %lt3A = arith.constant 1200 : i32
    %lt3A_1 = arith.cmpi slt, %add3A, %lt3A : i32
    %convert_element_type3A = arith.extui %lt3A_1 : i1 to i32
    %cond3A = arith.constant 0 : i32
    %cond3A_2 = arith.cmpi ne, %convert_element_type3A, %cond3A : i32
    scf.if %cond3A_2 {
      %jit3A = arith.constant 100 : i32
      %div3A = arith.divsi %add3A, %jit3A : i32
      %sign3A = arith.constant 0 : i32
      %sign3A_36 = arith.cmpi sgt, %add3A, %sign3A : i32
      %sign3A_37 = arith.extui %sign3A_36 : i1 to i32
      %sign3A_38 = arith.constant 0 : i32
      %sign3A_39 = arith.cmpi slt, %add3A, %sign3A_38 : i32
      %sign3A_40 = arith.extui %sign3A_39 : i1 to i32
      %sign3A_41 = arith.subi %sign3A_37, %sign3A_40 : i32
      %sign3A_42 = arith.constant 0 : i32
      %sign3A_43 = arith.cmpi sgt, %jit3A, %sign3A_42 : i32
      %sign3A_44 = arith.extui %sign3A_43 : i1 to i32
      %sign3A_45 = arith.constant 0 : i32
      %sign3A_46 = arith.cmpi slt, %jit3A, %sign3A_45 : i32
      %sign3A_47 = arith.extui %sign3A_46 : i1 to i32
      %sign3A_48 = arith.subi %sign3A_44, %sign3A_47 : i32
      %ne3A = arith.cmpi ne, %sign3A_41, %sign3A_48 : i32
      %rem3A = arith.remsi %add3A, %jit3A : i32
      %ne3A_49 = arith.constant 0 : i32
      %ne3A_50 = arith.cmpi ne, %rem3A, %ne3A_49 : i32
      %and3A_51 = arith.andi %ne3A, %ne3A_50 : i1
      %sub3A = arith.constant 1 : i32
      %sub3A_52 = arith.subi %div3A, %sub3A : i32
      %select_n3A = arith.select %and3A_51, %sub3A_52, %div3A : i32
      %jit3A_53 = arith.constant 100 : i32
      %eq3A = arith.constant 0 : i32
      %eq3A_54 = arith.cmpi eq, %jit3A_53, %eq3A : i32
      %jit3A_55 = arith.constant 1 : i32
      %select_n3A_56 = arith.select %eq3A_54, %jit3A_55, %jit3A_53 : i32
      %rem3A_57 = arith.remsi %add3A, %select_n3A_56 : i32
      %ne3A_58 = arith.constant 0 : i32
      %ne3A_59 = arith.cmpi ne, %rem3A_57, %ne3A_58 : i32
      %lt3A_60 = arith.constant 0 : i32
      %lt3A_61 = arith.cmpi slt, %rem3A_57, %lt3A_60 : i32
      %lt3A_62 = arith.constant 0 : i32
      %lt3A_63 = arith.cmpi slt, %select_n3A_56, %lt3A_62 : i32
      %ne3A_64 = arith.xori %lt3A_61, %lt3A_63 : i1
      %and3A_65 = arith.andi %ne3A_64, %ne3A_59 : i1
      %add3A_66 = arith.addi %rem3A_57, %select_n3A_56 : i32
      %select_n3A_67 = arith.select %and3A_65, %add3A_66, %rem3A_57 : i32
      %mul3A_68 = arith.constant 6400 : i32
      %mul3A_69 = arith.muli %select_n3A_67, %mul3A_68 : i32
      %mul3A_70 = arith.constant 8 : i32
      %mul3A_71 = arith.muli %select_n3A, %mul3A_70 : i32
      %multiple_of3A = tpu.assume_multiple %mul3A_71, 8 : i32
      %dma_start3A = tpu.memref_slice %arg2[%multiple_of3A, %mul3A_69] : memref<100x640000xf32, #tpu.memory_space<hbm>> -> memref<8x6400xf32, #tpu.memory_space<hbm>>
      %dma_start3A_72 = tpu.memref_slice %arg2[%multiple_of3A, %mul3A_69] : memref<100x640000xf32, #tpu.memory_space<hbm>> -> memref<8x6400xf32, #tpu.memory_space<hbm>>
      tpu.enqueue_dma source(%dma_start3A_72 : memref<8x6400xf32, #tpu.memory_space<hbm>>) target(%arg5 : memref<8x6400xf32, #tpu.memory_space<vmem>>) target_semaphore(%arg7 : memref<!tpu.dma_semaphore, #tpu.memory_space<semaphore_mem>>)
    } else {
    }
    %scan3A = arith.constant 0 : i32
    %scan3A_3 = arith.constant 0 : i32
    %scan3A_4 = arith.constant 19 : i32
    %scan3A_5 = arith.addi %scan3A_3, %scan3A_4 : i32
    %scan3A_6 = arith.constant 1 : i32
    scf.for %scan3A_36 = %scan3A_3 to %scan3A_5 step %scan3A_6  : i32 {
      %mul3A_37 = arith.constant 2 : i32
      %mul3A_38 = arith.muli %mul3A_37, %scan3A_36 : i32
      %add3A_39 = arith.constant 0 : i32
      %add3A_40 = arith.addi %mul3A_38, %add3A_39 : i32
      %mul3A_41 = arith.constant 32 : i32
      %mul3A_42 = arith.muli %mul3A_41, %add3A_40 : i32
      %add3A_43 = arith.addi %add3A, %mul3A_42 : i32
      %lt3A_44 = arith.constant 1200 : i32
      %lt3A_45 = arith.cmpi slt, %add3A_43, %lt3A_44 : i32
      %convert_element_type3A_46 = arith.extui %lt3A_45 : i1 to i32
      %cond3A_47 = arith.constant 0 : i32
      %cond3A_48 = arith.cmpi ne, %convert_element_type3A_46, %cond3A_47 : i32
      scf.if %cond3A_48 {
        %jit3A = arith.constant 100 : i32
        %div3A = arith.divsi %add3A_43, %jit3A : i32
        %sign3A = arith.constant 0 : i32
        %sign3A_61 = arith.cmpi sgt, %add3A_43, %sign3A : i32
        %sign3A_62 = arith.extui %sign3A_61 : i1 to i32
        %sign3A_63 = arith.constant 0 : i32
        %sign3A_64 = arith.cmpi slt, %add3A_43, %sign3A_63 : i32
        %sign3A_65 = arith.extui %sign3A_64 : i1 to i32
        %sign3A_66 = arith.subi %sign3A_62, %sign3A_65 : i32
        %sign3A_67 = arith.constant 0 : i32
        %sign3A_68 = arith.cmpi sgt, %jit3A, %sign3A_67 : i32
        %sign3A_69 = arith.extui %sign3A_68 : i1 to i32
        %sign3A_70 = arith.constant 0 : i32
        %sign3A_71 = arith.cmpi slt, %jit3A, %sign3A_70 : i32
        %sign3A_72 = arith.extui %sign3A_71 : i1 to i32
        %sign3A_73 = arith.subi %sign3A_69, %sign3A_72 : i32
        %ne3A = arith.cmpi ne, %sign3A_66, %sign3A_73 : i32
        %rem3A = arith.remsi %add3A_43, %jit3A : i32
        %ne3A_74 = arith.constant 0 : i32
        %ne3A_75 = arith.cmpi ne, %rem3A, %ne3A_74 : i32
        %and3A_76 = arith.andi %ne3A, %ne3A_75 : i1
        %sub3A = arith.constant 1 : i32
        %sub3A_77 = arith.subi %div3A, %sub3A : i32
        %select_n3A = arith.select %and3A_76, %sub3A_77, %div3A : i32
        %jit3A_78 = arith.constant 100 : i32
        %eq3A = arith.constant 0 : i32
        %eq3A_79 = arith.cmpi eq, %jit3A_78, %eq3A : i32
        %jit3A_80 = arith.constant 1 : i32
        %select_n3A_81 = arith.select %eq3A_79, %jit3A_80, %jit3A_78 : i32
        %rem3A_82 = arith.remsi %add3A_43, %select_n3A_81 : i32
        %ne3A_83 = arith.constant 0 : i32
        %ne3A_84 = arith.cmpi ne, %rem3A_82, %ne3A_83 : i32
        %lt3A_85 = arith.constant 0 : i32
        %lt3A_86 = arith.cmpi slt, %rem3A_82, %lt3A_85 : i32
        %lt3A_87 = arith.constant 0 : i32
        %lt3A_88 = arith.cmpi slt, %select_n3A_81, %lt3A_87 : i32
        %ne3A_89 = arith.xori %lt3A_86, %lt3A_88 : i1
        %and3A_90 = arith.andi %ne3A_89, %ne3A_84 : i1
        %add3A_91 = arith.addi %rem3A_82, %select_n3A_81 : i32
        %select_n3A_92 = arith.select %and3A_90, %add3A_91, %rem3A_82 : i32
        %mul3A_93 = arith.constant 6400 : i32
        %mul3A_94 = arith.muli %select_n3A_92, %mul3A_93 : i32
        %mul3A_95 = arith.constant 8 : i32
        %mul3A_96 = arith.muli %select_n3A, %mul3A_95 : i32
        %multiple_of3A = tpu.assume_multiple %mul3A_96, 8 : i32
        %dma_wait3A = tpu.memref_slice %arg2[%multiple_of3A, %mul3A_94] : memref<100x640000xf32, #tpu.memory_space<hbm>> -> memref<8x6400xf32, #tpu.memory_space<hbm>>
        %dma_wait3A_97 = tpu.memref_slice %arg2[%multiple_of3A, %mul3A_94] : memref<100x640000xf32, #tpu.memory_space<hbm>> -> memref<8x6400xf32, #tpu.memory_space<hbm>>
        tpu.wait_dma2 semaphore(%arg7 : memref<!tpu.dma_semaphore, #tpu.memory_space<semaphore_mem>>) src(%dma_wait3A_97 : memref<8x6400xf32, #tpu.memory_space<hbm>>) dst(%arg5 : memref<8x6400xf32, #tpu.memory_space<vmem>>)
        %jit3A_98 = arith.constant 100 : i32
        %div3A_99 = arith.divsi %add3A_43, %jit3A_98 : i32
        %sign3A_100 = arith.constant 0 : i32
        %sign3A_101 = arith.cmpi sgt, %add3A_43, %sign3A_100 : i32
        %sign3A_102 = arith.extui %sign3A_101 : i1 to i32
        %sign3A_103 = arith.constant 0 : i32
        %sign3A_104 = arith.cmpi slt, %add3A_43, %sign3A_103 : i32
        %sign3A_105 = arith.extui %sign3A_104 : i1 to i32
        %sign3A_106 = arith.subi %sign3A_102, %sign3A_105 : i32
        %sign3A_107 = arith.constant 0 : i32
        %sign3A_108 = arith.cmpi sgt, %jit3A_98, %sign3A_107 : i32
        %sign3A_109 = arith.extui %sign3A_108 : i1 to i32
        %sign3A_110 = arith.constant 0 : i32
        %sign3A_111 = arith.cmpi slt, %jit3A_98, %sign3A_110 : i32
        %sign3A_112 = arith.extui %sign3A_111 : i1 to i32
        %sign3A_113 = arith.subi %sign3A_109, %sign3A_112 : i32
        %ne3A_114 = arith.cmpi ne, %sign3A_106, %sign3A_113 : i32
        %rem3A_115 = arith.remsi %add3A_43, %jit3A_98 : i32
        %ne3A_116 = arith.constant 0 : i32
        %ne3A_117 = arith.cmpi ne, %rem3A_115, %ne3A_116 : i32
        %and3A_118 = arith.andi %ne3A_114, %ne3A_117 : i1
        %sub3A_119 = arith.constant 1 : i32
        %sub3A_120 = arith.subi %div3A_99, %sub3A_119 : i32
        %select_n3A_121 = arith.select %and3A_118, %sub3A_120, %div3A_99 : i32
        %eq3A_122 = arith.constant 0 : i32
        %eq3A_123 = arith.cmpi eq, %select_n3A_121, %eq3A_122 : i32
        %convert_element_type3A_124 = arith.extui %eq3A_123 : i1 to i32
        %cond3A_125 = arith.constant 0 : i32
        %cond3A_126 = arith.cmpi ne, %convert_element_type3A_124, %cond3A_125 : i32
        scf.if %cond3A_126 {
          %jit3A_187 = arith.constant 100 : i32
          %eq3A_188 = arith.constant 0 : i32
          %eq3A_189 = arith.cmpi eq, %jit3A_187, %eq3A_188 : i32
          %jit3A_190 = arith.constant 1 : i32
          %select_n3A_191 = arith.select %eq3A_189, %jit3A_190, %jit3A_187 : i32
          %rem3A_192 = arith.remsi %add3A_43, %select_n3A_191 : i32
          %ne3A_193 = arith.constant 0 : i32
          %ne3A_194 = arith.cmpi ne, %rem3A_192, %ne3A_193 : i32
          %lt3A_195 = arith.constant 0 : i32
          %lt3A_196 = arith.cmpi slt, %rem3A_192, %lt3A_195 : i32
          %lt3A_197 = arith.constant 0 : i32
          %lt3A_198 = arith.cmpi slt, %select_n3A_191, %lt3A_197 : i32
          %ne3A_199 = arith.xori %lt3A_196, %lt3A_198 : i1
          %and3A_200 = arith.andi %ne3A_199, %ne3A_194 : i1
          %add3A_201 = arith.addi %rem3A_192, %select_n3A_191 : i32
          %select_n3A_202 = arith.select %and3A_200, %add3A_201, %rem3A_192 : i32
          %mul3A_203 = arith.constant 6400 : i32
          %mul3A_204 = arith.muli %select_n3A_202, %mul3A_203 : i32
          %dma_start3A_205 = arith.constant 0 : i32
          %dma_start3A_206 = arith.constant 0 : i32
          %dma_start3A_207 = tpu.memref_slice %arg5[%dma_start3A_205, %dma_start3A_206] : memref<8x6400xf32, #tpu.memory_space<vmem>> -> memref<1x6400xf32, #tpu.memory_space<vmem>>
          %dma_start3A_208 = tpu.memref_squeeze %dma_start3A_207 : memref<1x6400xf32, #tpu.memory_space<vmem>> -> memref<6400xf32, #tpu.memory_space<vmem>>
          %dma_start3A_209 = tpu.memref_slice %arg3[%mul3A_204] : memref<640000xf32, #tpu.memory_space<hbm>> -> memref<6400xf32, #tpu.memory_space<hbm>>
          %dma_start3A_210 = arith.constant 0 : i32
          %dma_start3A_211 = tpu.memref_slice %arg5[%dma_start3A_205, %dma_start3A_210] : memref<8x6400xf32, #tpu.memory_space<vmem>> -> memref<1x6400xf32, #tpu.memory_space<vmem>>
          %dma_start3A_212 = tpu.memref_squeeze %dma_start3A_211 : memref<1x6400xf32, #tpu.memory_space<vmem>> -> memref<6400xf32, #tpu.memory_space<vmem>>
          %dma_start3A_213 = tpu.memref_slice %arg3[%mul3A_204] : memref<640000xf32, #tpu.memory_space<hbm>> -> memref<6400xf32, #tpu.memory_space<hbm>>
          tpu.enqueue_dma source(%dma_start3A_213 : memref<6400xf32, #tpu.memory_space<hbm>>) target(%dma_start3A_212 : memref<6400xf32, #tpu.memory_space<vmem>>) target_semaphore(%arg7 : memref<!tpu.dma_semaphore, #tpu.memory_space<semaphore_mem>>)
          %dma_wait3A_214 = arith.constant 0 : i32
          %dma_wait3A_215 = arith.constant 0 : i32
          %dma_wait3A_216 = tpu.memref_slice %arg5[%dma_wait3A_214, %dma_wait3A_215] : memref<8x6400xf32, #tpu.memory_space<vmem>> -> memref<1x6400xf32, #tpu.memory_space<vmem>>
          %dma_wait3A_217 = tpu.memref_squeeze %dma_wait3A_216 : memref<1x6400xf32, #tpu.memory_space<vmem>> -> memref<6400xf32, #tpu.memory_space<vmem>>
          %dma_wait3A_218 = tpu.memref_slice %arg3[%mul3A_204] : memref<640000xf32, #tpu.memory_space<hbm>> -> memref<6400xf32, #tpu.memory_space<hbm>>
          %dma_wait3A_219 = arith.constant 0 : i32
          %dma_wait3A_220 = tpu.memref_slice %arg5[%dma_wait3A_214, %dma_wait3A_219] : memref<8x6400xf32, #tpu.memory_space<vmem>> -> memref<1x6400xf32, #tpu.memory_space<vmem>>
          %dma_wait3A_221 = tpu.memref_squeeze %dma_wait3A_220 : memref<1x6400xf32, #tpu.memory_space<vmem>> -> memref<6400xf32, #tpu.memory_space<vmem>>
          %dma_wait3A_222 = tpu.memref_slice %arg3[%mul3A_204] : memref<640000xf32, #tpu.memory_space<hbm>> -> memref<6400xf32, #tpu.memory_space<hbm>>
          tpu.wait_dma2 semaphore(%arg7 : memref<!tpu.dma_semaphore, #tpu.memory_space<semaphore_mem>>) src(%dma_wait3A_222 : memref<6400xf32, #tpu.memory_space<hbm>>) dst(%dma_wait3A_221 : memref<6400xf32, #tpu.memory_space<vmem>>)
        } else {
        }
        %jit3A_127 = arith.constant 100 : i32
        %div3A_128 = arith.divsi %add3A_43, %jit3A_127 : i32
        %sign3A_129 = arith.constant 0 : i32
        %sign3A_130 = arith.cmpi sgt, %add3A_43, %sign3A_129 : i32
        %sign3A_131 = arith.extui %sign3A_130 : i1 to i32
        %sign3A_132 = arith.constant 0 : i32
        %sign3A_133 = arith.cmpi slt, %add3A_43, %sign3A_132 : i32
        %sign3A_134 = arith.extui %sign3A_133 : i1 to i32
        %sign3A_135 = arith.subi %sign3A_131, %sign3A_134 : i32
        %sign3A_136 = arith.constant 0 : i32
        %sign3A_137 = arith.cmpi sgt, %jit3A_127, %sign3A_136 : i32
        %sign3A_138 = arith.extui %sign3A_137 : i1 to i32
        %sign3A_139 = arith.constant 0 : i32
        %sign3A_140 = arith.cmpi slt, %jit3A_127, %sign3A_139 : i32
        %sign3A_141 = arith.extui %sign3A_140 : i1 to i32
        %sign3A_142 = arith.subi %sign3A_138, %sign3A_141 : i32
        %ne3A_143 = arith.cmpi ne, %sign3A_135, %sign3A_142 : i32
        %rem3A_144 = arith.remsi %add3A_43, %jit3A_127 : i32
        %ne3A_145 = arith.constant 0 : i32
        %ne3A_146 = arith.cmpi ne, %rem3A_144, %ne3A_145 : i32
        %and3A_147 = arith.andi %ne3A_143, %ne3A_146 : i1
        %sub3A_148 = arith.constant 1 : i32
        %sub3A_149 = arith.subi %div3A_128, %sub3A_148 : i32
        %select_n3A_150 = arith.select %and3A_147, %sub3A_149, %div3A_128 : i32
        %jit3A_151 = arith.constant 100 : i32
        %eq3A_152 = arith.constant 0 : i32
        %eq3A_153 = arith.cmpi eq, %jit3A_151, %eq3A_152 : i32
        %jit3A_154 = arith.constant 1 : i32
        %select_n3A_155 = arith.select %eq3A_153, %jit3A_154, %jit3A_151 : i32
        %rem3A_156 = arith.remsi %add3A_43, %select_n3A_155 : i32
        %ne3A_157 = arith.constant 0 : i32
        %ne3A_158 = arith.cmpi ne, %rem3A_156, %ne3A_157 : i32
        %lt3A_159 = arith.constant 0 : i32
        %lt3A_160 = arith.cmpi slt, %rem3A_156, %lt3A_159 : i32
        %lt3A_161 = arith.constant 0 : i32
        %lt3A_162 = arith.cmpi slt, %select_n3A_155, %lt3A_161 : i32
        %ne3A_163 = arith.xori %lt3A_160, %lt3A_162 : i1
        %and3A_164 = arith.andi %ne3A_163, %ne3A_158 : i1
        %add3A_165 = arith.addi %rem3A_156, %select_n3A_155 : i32
        %select_n3A_166 = arith.select %and3A_164, %add3A_165, %rem3A_156 : i32
        %mul3A_167 = arith.constant 6400 : i32
        %mul3A_168 = arith.muli %select_n3A_166, %mul3A_167 : i32
        %mul3A_169 = arith.constant 8 : i32
        %mul3A_170 = arith.muli %select_n3A_150, %mul3A_169 : i32
        %multiple_of3A_171 = tpu.assume_multiple %mul3A_170, 8 : i32
        %dma_start3A = tpu.memref_slice %arg4[%multiple_of3A_171, %mul3A_168] : memref<100x640000xf32, #tpu.memory_space<hbm>> -> memref<8x6400xf32, #tpu.memory_space<hbm>>
        %dma_start3A_172 = tpu.memref_slice %arg4[%multiple_of3A_171, %mul3A_168] : memref<100x640000xf32, #tpu.memory_space<hbm>> -> memref<8x6400xf32, #tpu.memory_space<hbm>>
        tpu.enqueue_dma source(%arg5 : memref<8x6400xf32, #tpu.memory_space<vmem>>) target(%dma_start3A_172 : memref<8x6400xf32, #tpu.memory_space<hbm>>) target_semaphore(%arg9 : memref<!tpu.dma_semaphore, #tpu.memory_space<semaphore_mem>>)
        %sub3A_173 = arith.constant 32 : i32
        %sub3A_174 = arith.subi %add3A_43, %sub3A_173 : i32
        %ge3A_175 = arith.constant 0 : i32
        %ge3A_176 = arith.cmpi sge, %sub3A_174, %ge3A_175 : i32
        %convert_element_type3A_177 = arith.extui %ge3A_176 : i1 to i32
        %cond3A_178 = arith.constant 0 : i32
        %cond3A_179 = arith.cmpi ne, %convert_element_type3A_177, %cond3A_178 : i32
        scf.if %cond3A_179 {
          %jit3A_187 = arith.constant 100 : i32
          %div3A_188 = arith.divsi %sub3A_174, %jit3A_187 : i32
          %sign3A_189 = arith.constant 0 : i32
          %sign3A_190 = arith.cmpi sgt, %sub3A_174, %sign3A_189 : i32
          %sign3A_191 = arith.extui %sign3A_190 : i1 to i32
          %sign3A_192 = arith.constant 0 : i32
          %sign3A_193 = arith.cmpi slt, %sub3A_174, %sign3A_192 : i32
          %sign3A_194 = arith.extui %sign3A_193 : i1 to i32
          %sign3A_195 = arith.subi %sign3A_191, %sign3A_194 : i32
          %sign3A_196 = arith.constant 0 : i32
          %sign3A_197 = arith.cmpi sgt, %jit3A_187, %sign3A_196 : i32
          %sign3A_198 = arith.extui %sign3A_197 : i1 to i32
          %sign3A_199 = arith.constant 0 : i32
          %sign3A_200 = arith.cmpi slt, %jit3A_187, %sign3A_199 : i32
          %sign3A_201 = arith.extui %sign3A_200 : i1 to i32
          %sign3A_202 = arith.subi %sign3A_198, %sign3A_201 : i32
          %ne3A_203 = arith.cmpi ne, %sign3A_195, %sign3A_202 : i32
          %rem3A_204 = arith.remsi %sub3A_174, %jit3A_187 : i32
          %ne3A_205 = arith.constant 0 : i32
          %ne3A_206 = arith.cmpi ne, %rem3A_204, %ne3A_205 : i32
          %and3A_207 = arith.andi %ne3A_203, %ne3A_206 : i1
          %sub3A_208 = arith.constant 1 : i32
          %sub3A_209 = arith.subi %div3A_188, %sub3A_208 : i32
          %select_n3A_210 = arith.select %and3A_207, %sub3A_209, %div3A_188 : i32
          %jit3A_211 = arith.constant 100 : i32
          %eq3A_212 = arith.constant 0 : i32
          %eq3A_213 = arith.cmpi eq, %jit3A_211, %eq3A_212 : i32
          %jit3A_214 = arith.constant 1 : i32
          %select_n3A_215 = arith.select %eq3A_213, %jit3A_214, %jit3A_211 : i32
          %rem3A_216 = arith.remsi %sub3A_174, %select_n3A_215 : i32
          %ne3A_217 = arith.constant 0 : i32
          %ne3A_218 = arith.cmpi ne, %rem3A_216, %ne3A_217 : i32
          %lt3A_219 = arith.constant 0 : i32
          %lt3A_220 = arith.cmpi slt, %rem3A_216, %lt3A_219 : i32
          %lt3A_221 = arith.constant 0 : i32
          %lt3A_222 = arith.cmpi slt, %select_n3A_215, %lt3A_221 : i32
          %ne3A_223 = arith.xori %lt3A_220, %lt3A_222 : i1
          %and3A_224 = arith.andi %ne3A_223, %ne3A_218 : i1
          %add3A_225 = arith.addi %rem3A_216, %select_n3A_215 : i32
          %select_n3A_226 = arith.select %and3A_224, %add3A_225, %rem3A_216 : i32
          %mul3A_227 = arith.constant 6400 : i32
          %mul3A_228 = arith.muli %select_n3A_226, %mul3A_227 : i32
          %mul3A_229 = arith.constant 8 : i32
          %mul3A_230 = arith.muli %select_n3A_210, %mul3A_229 : i32
          %multiple_of3A_231 = tpu.assume_multiple %mul3A_230, 8 : i32
          %dma_wait3A_232 = tpu.memref_slice %arg4[%multiple_of3A_231, %mul3A_228] : memref<100x640000xf32, #tpu.memory_space<hbm>> -> memref<8x6400xf32, #tpu.memory_space<hbm>>
          %dma_wait3A_233 = tpu.memref_slice %arg4[%multiple_of3A_231, %mul3A_228] : memref<100x640000xf32, #tpu.memory_space<hbm>> -> memref<8x6400xf32, #tpu.memory_space<hbm>>
          tpu.wait_dma2 semaphore(%arg10 : memref<!tpu.dma_semaphore, #tpu.memory_space<semaphore_mem>>) src(%arg6 : memref<8x6400xf32, #tpu.memory_space<vmem>>) dst(%dma_wait3A_233 : memref<8x6400xf32, #tpu.memory_space<hbm>>)
        } else {
        }
        %add3A_180 = arith.constant 32 : i32
        %add3A_181 = arith.addi %add3A_43, %add3A_180 : i32
        %lt3A_182 = arith.constant 1200 : i32
        %lt3A_183 = arith.cmpi slt, %add3A_181, %lt3A_182 : i32
        %convert_element_type3A_184 = arith.extui %lt3A_183 : i1 to i32
        %cond3A_185 = arith.constant 0 : i32
        %cond3A_186 = arith.cmpi ne, %convert_element_type3A_184, %cond3A_185 : i32
        scf.if %cond3A_186 {
          %jit3A_187 = arith.constant 100 : i32
          %div3A_188 = arith.divsi %add3A_181, %jit3A_187 : i32
          %sign3A_189 = arith.constant 0 : i32
          %sign3A_190 = arith.cmpi sgt, %add3A_181, %sign3A_189 : i32
          %sign3A_191 = arith.extui %sign3A_190 : i1 to i32
          %sign3A_192 = arith.constant 0 : i32
          %sign3A_193 = arith.cmpi slt, %add3A_181, %sign3A_192 : i32
          %sign3A_194 = arith.extui %sign3A_193 : i1 to i32
          %sign3A_195 = arith.subi %sign3A_191, %sign3A_194 : i32
          %sign3A_196 = arith.constant 0 : i32
          %sign3A_197 = arith.cmpi sgt, %jit3A_187, %sign3A_196 : i32
          %sign3A_198 = arith.extui %sign3A_197 : i1 to i32
          %sign3A_199 = arith.constant 0 : i32
          %sign3A_200 = arith.cmpi slt, %jit3A_187, %sign3A_199 : i32
          %sign3A_201 = arith.extui %sign3A_200 : i1 to i32
          %sign3A_202 = arith.subi %sign3A_198, %sign3A_201 : i32
          %ne3A_203 = arith.cmpi ne, %sign3A_195, %sign3A_202 : i32
          %rem3A_204 = arith.remsi %add3A_181, %jit3A_187 : i32
          %ne3A_205 = arith.constant 0 : i32
          %ne3A_206 = arith.cmpi ne, %rem3A_204, %ne3A_205 : i32
          %and3A_207 = arith.andi %ne3A_203, %ne3A_206 : i1
          %sub3A_208 = arith.constant 1 : i32
          %sub3A_209 = arith.subi %div3A_188, %sub3A_208 : i32
          %select_n3A_210 = arith.select %and3A_207, %sub3A_209, %div3A_188 : i32
          %jit3A_211 = arith.constant 100 : i32
          %eq3A_212 = arith.constant 0 : i32
          %eq3A_213 = arith.cmpi eq, %jit3A_211, %eq3A_212 : i32
          %jit3A_214 = arith.constant 1 : i32
          %select_n3A_215 = arith.select %eq3A_213, %jit3A_214, %jit3A_211 : i32
          %rem3A_216 = arith.remsi %add3A_181, %select_n3A_215 : i32
          %ne3A_217 = arith.constant 0 : i32
          %ne3A_218 = arith.cmpi ne, %rem3A_216, %ne3A_217 : i32
          %lt3A_219 = arith.constant 0 : i32
          %lt3A_220 = arith.cmpi slt, %rem3A_216, %lt3A_219 : i32
          %lt3A_221 = arith.constant 0 : i32
          %lt3A_222 = arith.cmpi slt, %select_n3A_215, %lt3A_221 : i32
          %ne3A_223 = arith.xori %lt3A_220, %lt3A_222 : i1
          %and3A_224 = arith.andi %ne3A_223, %ne3A_218 : i1
          %add3A_225 = arith.addi %rem3A_216, %select_n3A_215 : i32
          %select_n3A_226 = arith.select %and3A_224, %add3A_225, %rem3A_216 : i32
          %mul3A_227 = arith.constant 6400 : i32
          %mul3A_228 = arith.muli %select_n3A_226, %mul3A_227 : i32
          %mul3A_229 = arith.constant 8 : i32
          %mul3A_230 = arith.muli %select_n3A_210, %mul3A_229 : i32
          %multiple_of3A_231 = tpu.assume_multiple %mul3A_230, 8 : i32
          %dma_start3A_232 = tpu.memref_slice %arg2[%multiple_of3A_231, %mul3A_228] : memref<100x640000xf32, #tpu.memory_space<hbm>> -> memref<8x6400xf32, #tpu.memory_space<hbm>>
          %dma_start3A_233 = tpu.memref_slice %arg2[%multiple_of3A_231, %mul3A_228] : memref<100x640000xf32, #tpu.memory_space<hbm>> -> memref<8x6400xf32, #tpu.memory_space<hbm>>
          tpu.enqueue_dma source(%dma_start3A_233 : memref<8x6400xf32, #tpu.memory_space<hbm>>) target(%arg6 : memref<8x6400xf32, #tpu.memory_space<vmem>>) target_semaphore(%arg8 : memref<!tpu.dma_semaphore, #tpu.memory_space<semaphore_mem>>)
        } else {
        }
      } else {
      }
      %mul3A_49 = arith.constant 2 : i32
      %mul3A_50 = arith.muli %mul3A_49, %scan3A_36 : i32
      %add3A_51 = arith.constant 1 : i32
      %add3A_52 = arith.addi %mul3A_50, %add3A_51 : i32
      %mul3A_53 = arith.constant 32 : i32
      %mul3A_54 = arith.muli %mul3A_53, %add3A_52 : i32
      %add3A_55 = arith.addi %add3A, %mul3A_54 : i32
      %lt3A_56 = arith.constant 1200 : i32
      %lt3A_57 = arith.cmpi slt, %add3A_55, %lt3A_56 : i32
      %convert_element_type3A_58 = arith.extui %lt3A_57 : i1 to i32
      %cond3A_59 = arith.constant 0 : i32
      %cond3A_60 = arith.cmpi ne, %convert_element_type3A_58, %cond3A_59 : i32
      scf.if %cond3A_60 {
        %jit3A = arith.constant 100 : i32
        %div3A = arith.divsi %add3A_55, %jit3A : i32
        %sign3A = arith.constant 0 : i32
        %sign3A_61 = arith.cmpi sgt, %add3A_55, %sign3A : i32
        %sign3A_62 = arith.extui %sign3A_61 : i1 to i32
        %sign3A_63 = arith.constant 0 : i32
        %sign3A_64 = arith.cmpi slt, %add3A_55, %sign3A_63 : i32
        %sign3A_65 = arith.extui %sign3A_64 : i1 to i32
        %sign3A_66 = arith.subi %sign3A_62, %sign3A_65 : i32
        %sign3A_67 = arith.constant 0 : i32
        %sign3A_68 = arith.cmpi sgt, %jit3A, %sign3A_67 : i32
        %sign3A_69 = arith.extui %sign3A_68 : i1 to i32
        %sign3A_70 = arith.constant 0 : i32
        %sign3A_71 = arith.cmpi slt, %jit3A, %sign3A_70 : i32
        %sign3A_72 = arith.extui %sign3A_71 : i1 to i32
        %sign3A_73 = arith.subi %sign3A_69, %sign3A_72 : i32
        %ne3A = arith.cmpi ne, %sign3A_66, %sign3A_73 : i32
        %rem3A = arith.remsi %add3A_55, %jit3A : i32
        %ne3A_74 = arith.constant 0 : i32
        %ne3A_75 = arith.cmpi ne, %rem3A, %ne3A_74 : i32
        %and3A_76 = arith.andi %ne3A, %ne3A_75 : i1
        %sub3A = arith.constant 1 : i32
        %sub3A_77 = arith.subi %div3A, %sub3A : i32
        %select_n3A = arith.select %and3A_76, %sub3A_77, %div3A : i32
        %jit3A_78 = arith.constant 100 : i32
        %eq3A = arith.constant 0 : i32
        %eq3A_79 = arith.cmpi eq, %jit3A_78, %eq3A : i32
        %jit3A_80 = arith.constant 1 : i32
        %select_n3A_81 = arith.select %eq3A_79, %jit3A_80, %jit3A_78 : i32
        %rem3A_82 = arith.remsi %add3A_55, %select_n3A_81 : i32
        %ne3A_83 = arith.constant 0 : i32
        %ne3A_84 = arith.cmpi ne, %rem3A_82, %ne3A_83 : i32
        %lt3A_85 = arith.constant 0 : i32
        %lt3A_86 = arith.cmpi slt, %rem3A_82, %lt3A_85 : i32
        %lt3A_87 = arith.constant 0 : i32
        %lt3A_88 = arith.cmpi slt, %select_n3A_81, %lt3A_87 : i32
        %ne3A_89 = arith.xori %lt3A_86, %lt3A_88 : i1
        %and3A_90 = arith.andi %ne3A_89, %ne3A_84 : i1
        %add3A_91 = arith.addi %rem3A_82, %select_n3A_81 : i32
        %select_n3A_92 = arith.select %and3A_90, %add3A_91, %rem3A_82 : i32
        %mul3A_93 = arith.constant 6400 : i32
        %mul3A_94 = arith.muli %select_n3A_92, %mul3A_93 : i32
        %mul3A_95 = arith.constant 8 : i32
        %mul3A_96 = arith.muli %select_n3A, %mul3A_95 : i32
        %multiple_of3A = tpu.assume_multiple %mul3A_96, 8 : i32
        %dma_wait3A = tpu.memref_slice %arg2[%multiple_of3A, %mul3A_94] : memref<100x640000xf32, #tpu.memory_space<hbm>> -> memref<8x6400xf32, #tpu.memory_space<hbm>>
        %dma_wait3A_97 = tpu.memref_slice %arg2[%multiple_of3A, %mul3A_94] : memref<100x640000xf32, #tpu.memory_space<hbm>> -> memref<8x6400xf32, #tpu.memory_space<hbm>>
        tpu.wait_dma2 semaphore(%arg8 : memref<!tpu.dma_semaphore, #tpu.memory_space<semaphore_mem>>) src(%dma_wait3A_97 : memref<8x6400xf32, #tpu.memory_space<hbm>>) dst(%arg6 : memref<8x6400xf32, #tpu.memory_space<vmem>>)
        %jit3A_98 = arith.constant 100 : i32
        %div3A_99 = arith.divsi %add3A_55, %jit3A_98 : i32
        %sign3A_100 = arith.constant 0 : i32
        %sign3A_101 = arith.cmpi sgt, %add3A_55, %sign3A_100 : i32
        %sign3A_102 = arith.extui %sign3A_101 : i1 to i32
        %sign3A_103 = arith.constant 0 : i32
        %sign3A_104 = arith.cmpi slt, %add3A_55, %sign3A_103 : i32
        %sign3A_105 = arith.extui %sign3A_104 : i1 to i32
        %sign3A_106 = arith.subi %sign3A_102, %sign3A_105 : i32
        %sign3A_107 = arith.constant 0 : i32
        %sign3A_108 = arith.cmpi sgt, %jit3A_98, %sign3A_107 : i32
        %sign3A_109 = arith.extui %sign3A_108 : i1 to i32
        %sign3A_110 = arith.constant 0 : i32
        %sign3A_111 = arith.cmpi slt, %jit3A_98, %sign3A_110 : i32
        %sign3A_112 = arith.extui %sign3A_111 : i1 to i32
        %sign3A_113 = arith.subi %sign3A_109, %sign3A_112 : i32
        %ne3A_114 = arith.cmpi ne, %sign3A_106, %sign3A_113 : i32
        %rem3A_115 = arith.remsi %add3A_55, %jit3A_98 : i32
        %ne3A_116 = arith.constant 0 : i32
        %ne3A_117 = arith.cmpi ne, %rem3A_115, %ne3A_116 : i32
        %and3A_118 = arith.andi %ne3A_114, %ne3A_117 : i1
        %sub3A_119 = arith.constant 1 : i32
        %sub3A_120 = arith.subi %div3A_99, %sub3A_119 : i32
        %select_n3A_121 = arith.select %and3A_118, %sub3A_120, %div3A_99 : i32
        %eq3A_122 = arith.constant 0 : i32
        %eq3A_123 = arith.cmpi eq, %select_n3A_121, %eq3A_122 : i32
        %convert_element_type3A_124 = arith.extui %eq3A_123 : i1 to i32
        %cond3A_125 = arith.constant 0 : i32
        %cond3A_126 = arith.cmpi ne, %convert_element_type3A_124, %cond3A_125 : i32
        scf.if %cond3A_126 {
          %jit3A_187 = arith.constant 100 : i32
          %eq3A_188 = arith.constant 0 : i32
          %eq3A_189 = arith.cmpi eq, %jit3A_187, %eq3A_188 : i32
          %jit3A_190 = arith.constant 1 : i32
          %select_n3A_191 = arith.select %eq3A_189, %jit3A_190, %jit3A_187 : i32
          %rem3A_192 = arith.remsi %add3A_55, %select_n3A_191 : i32
          %ne3A_193 = arith.constant 0 : i32
          %ne3A_194 = arith.cmpi ne, %rem3A_192, %ne3A_193 : i32
          %lt3A_195 = arith.constant 0 : i32
          %lt3A_196 = arith.cmpi slt, %rem3A_192, %lt3A_195 : i32
          %lt3A_197 = arith.constant 0 : i32
          %lt3A_198 = arith.cmpi slt, %select_n3A_191, %lt3A_197 : i32
          %ne3A_199 = arith.xori %lt3A_196, %lt3A_198 : i1
          %and3A_200 = arith.andi %ne3A_199, %ne3A_194 : i1
          %add3A_201 = arith.addi %rem3A_192, %select_n3A_191 : i32
          %select_n3A_202 = arith.select %and3A_200, %add3A_201, %rem3A_192 : i32
          %mul3A_203 = arith.constant 6400 : i32
          %mul3A_204 = arith.muli %select_n3A_202, %mul3A_203 : i32
          %dma_start3A_205 = arith.constant 0 : i32
          %dma_start3A_206 = arith.constant 0 : i32
          %dma_start3A_207 = tpu.memref_slice %arg6[%dma_start3A_205, %dma_start3A_206] : memref<8x6400xf32, #tpu.memory_space<vmem>> -> memref<1x6400xf32, #tpu.memory_space<vmem>>
          %dma_start3A_208 = tpu.memref_squeeze %dma_start3A_207 : memref<1x6400xf32, #tpu.memory_space<vmem>> -> memref<6400xf32, #tpu.memory_space<vmem>>
          %dma_start3A_209 = tpu.memref_slice %arg3[%mul3A_204] : memref<640000xf32, #tpu.memory_space<hbm>> -> memref<6400xf32, #tpu.memory_space<hbm>>
          %dma_start3A_210 = arith.constant 0 : i32
          %dma_start3A_211 = tpu.memref_slice %arg6[%dma_start3A_205, %dma_start3A_210] : memref<8x6400xf32, #tpu.memory_space<vmem>> -> memref<1x6400xf32, #tpu.memory_space<vmem>>
          %dma_start3A_212 = tpu.memref_squeeze %dma_start3A_211 : memref<1x6400xf32, #tpu.memory_space<vmem>> -> memref<6400xf32, #tpu.memory_space<vmem>>
          %dma_start3A_213 = tpu.memref_slice %arg3[%mul3A_204] : memref<640000xf32, #tpu.memory_space<hbm>> -> memref<6400xf32, #tpu.memory_space<hbm>>
          tpu.enqueue_dma source(%dma_start3A_213 : memref<6400xf32, #tpu.memory_space<hbm>>) target(%dma_start3A_212 : memref<6400xf32, #tpu.memory_space<vmem>>) target_semaphore(%arg8 : memref<!tpu.dma_semaphore, #tpu.memory_space<semaphore_mem>>)
          %dma_wait3A_214 = arith.constant 0 : i32
          %dma_wait3A_215 = arith.constant 0 : i32
          %dma_wait3A_216 = tpu.memref_slice %arg6[%dma_wait3A_214, %dma_wait3A_215] : memref<8x6400xf32, #tpu.memory_space<vmem>> -> memref<1x6400xf32, #tpu.memory_space<vmem>>
          %dma_wait3A_217 = tpu.memref_squeeze %dma_wait3A_216 : memref<1x6400xf32, #tpu.memory_space<vmem>> -> memref<6400xf32, #tpu.memory_space<vmem>>
          %dma_wait3A_218 = tpu.memref_slice %arg3[%mul3A_204] : memref<640000xf32, #tpu.memory_space<hbm>> -> memref<6400xf32, #tpu.memory_space<hbm>>
          %dma_wait3A_219 = arith.constant 0 : i32
          %dma_wait3A_220 = tpu.memref_slice %arg6[%dma_wait3A_214, %dma_wait3A_219] : memref<8x6400xf32, #tpu.memory_space<vmem>> -> memref<1x6400xf32, #tpu.memory_space<vmem>>
          %dma_wait3A_221 = tpu.memref_squeeze %dma_wait3A_220 : memref<1x6400xf32, #tpu.memory_space<vmem>> -> memref<6400xf32, #tpu.memory_space<vmem>>
          %dma_wait3A_222 = tpu.memref_slice %arg3[%mul3A_204] : memref<640000xf32, #tpu.memory_space<hbm>> -> memref<6400xf32, #tpu.memory_space<hbm>>
          tpu.wait_dma2 semaphore(%arg8 : memref<!tpu.dma_semaphore, #tpu.memory_space<semaphore_mem>>) src(%dma_wait3A_222 : memref<6400xf32, #tpu.memory_space<hbm>>) dst(%dma_wait3A_221 : memref<6400xf32, #tpu.memory_space<vmem>>)
        } else {
        }
        %jit3A_127 = arith.constant 100 : i32
        %div3A_128 = arith.divsi %add3A_55, %jit3A_127 : i32
        %sign3A_129 = arith.constant 0 : i32
        %sign3A_130 = arith.cmpi sgt, %add3A_55, %sign3A_129 : i32
        %sign3A_131 = arith.extui %sign3A_130 : i1 to i32
        %sign3A_132 = arith.constant 0 : i32
        %sign3A_133 = arith.cmpi slt, %add3A_55, %sign3A_132 : i32
        %sign3A_134 = arith.extui %sign3A_133 : i1 to i32
        %sign3A_135 = arith.subi %sign3A_131, %sign3A_134 : i32
        %sign3A_136 = arith.constant 0 : i32
        %sign3A_137 = arith.cmpi sgt, %jit3A_127, %sign3A_136 : i32
        %sign3A_138 = arith.extui %sign3A_137 : i1 to i32
        %sign3A_139 = arith.constant 0 : i32
        %sign3A_140 = arith.cmpi slt, %jit3A_127, %sign3A_139 : i32
        %sign3A_141 = arith.extui %sign3A_140 : i1 to i32
        %sign3A_142 = arith.subi %sign3A_138, %sign3A_141 : i32
        %ne3A_143 = arith.cmpi ne, %sign3A_135, %sign3A_142 : i32
        %rem3A_144 = arith.remsi %add3A_55, %jit3A_127 : i32
        %ne3A_145 = arith.constant 0 : i32
        %ne3A_146 = arith.cmpi ne, %rem3A_144, %ne3A_145 : i32
        %and3A_147 = arith.andi %ne3A_143, %ne3A_146 : i1
        %sub3A_148 = arith.constant 1 : i32
        %sub3A_149 = arith.subi %div3A_128, %sub3A_148 : i32
        %select_n3A_150 = arith.select %and3A_147, %sub3A_149, %div3A_128 : i32
        %jit3A_151 = arith.constant 100 : i32
        %eq3A_152 = arith.constant 0 : i32
        %eq3A_153 = arith.cmpi eq, %jit3A_151, %eq3A_152 : i32
        %jit3A_154 = arith.constant 1 : i32
        %select_n3A_155 = arith.select %eq3A_153, %jit3A_154, %jit3A_151 : i32
        %rem3A_156 = arith.remsi %add3A_55, %select_n3A_155 : i32
        %ne3A_157 = arith.constant 0 : i32
        %ne3A_158 = arith.cmpi ne, %rem3A_156, %ne3A_157 : i32
        %lt3A_159 = arith.constant 0 : i32
        %lt3A_160 = arith.cmpi slt, %rem3A_156, %lt3A_159 : i32
        %lt3A_161 = arith.constant 0 : i32
        %lt3A_162 = arith.cmpi slt, %select_n3A_155, %lt3A_161 : i32
        %ne3A_163 = arith.xori %lt3A_160, %lt3A_162 : i1
        %and3A_164 = arith.andi %ne3A_163, %ne3A_158 : i1
        %add3A_165 = arith.addi %rem3A_156, %select_n3A_155 : i32
        %select_n3A_166 = arith.select %and3A_164, %add3A_165, %rem3A_156 : i32
        %mul3A_167 = arith.constant 6400 : i32
        %mul3A_168 = arith.muli %select_n3A_166, %mul3A_167 : i32
        %mul3A_169 = arith.constant 8 : i32
        %mul3A_170 = arith.muli %select_n3A_150, %mul3A_169 : i32
        %multiple_of3A_171 = tpu.assume_multiple %mul3A_170, 8 : i32
        %dma_start3A = tpu.memref_slice %arg4[%multiple_of3A_171, %mul3A_168] : memref<100x640000xf32, #tpu.memory_space<hbm>> -> memref<8x6400xf32, #tpu.memory_space<hbm>>
        %dma_start3A_172 = tpu.memref_slice %arg4[%multiple_of3A_171, %mul3A_168] : memref<100x640000xf32, #tpu.memory_space<hbm>> -> memref<8x6400xf32, #tpu.memory_space<hbm>>
        tpu.enqueue_dma source(%arg6 : memref<8x6400xf32, #tpu.memory_space<vmem>>) target(%dma_start3A_172 : memref<8x6400xf32, #tpu.memory_space<hbm>>) target_semaphore(%arg10 : memref<!tpu.dma_semaphore, #tpu.memory_space<semaphore_mem>>)
        %sub3A_173 = arith.constant 32 : i32
        %sub3A_174 = arith.subi %add3A_55, %sub3A_173 : i32
        %ge3A_175 = arith.constant 0 : i32
        %ge3A_176 = arith.cmpi sge, %sub3A_174, %ge3A_175 : i32
        %convert_element_type3A_177 = arith.extui %ge3A_176 : i1 to i32
        %cond3A_178 = arith.constant 0 : i32
        %cond3A_179 = arith.cmpi ne, %convert_element_type3A_177, %cond3A_178 : i32
        scf.if %cond3A_179 {
          %jit3A_187 = arith.constant 100 : i32
          %div3A_188 = arith.divsi %sub3A_174, %jit3A_187 : i32
          %sign3A_189 = arith.constant 0 : i32
          %sign3A_190 = arith.cmpi sgt, %sub3A_174, %sign3A_189 : i32
          %sign3A_191 = arith.extui %sign3A_190 : i1 to i32
          %sign3A_192 = arith.constant 0 : i32
          %sign3A_193 = arith.cmpi slt, %sub3A_174, %sign3A_192 : i32
          %sign3A_194 = arith.extui %sign3A_193 : i1 to i32
          %sign3A_195 = arith.subi %sign3A_191, %sign3A_194 : i32
          %sign3A_196 = arith.constant 0 : i32
          %sign3A_197 = arith.cmpi sgt, %jit3A_187, %sign3A_196 : i32
          %sign3A_198 = arith.extui %sign3A_197 : i1 to i32
          %sign3A_199 = arith.constant 0 : i32
          %sign3A_200 = arith.cmpi slt, %jit3A_187, %sign3A_199 : i32
          %sign3A_201 = arith.extui %sign3A_200 : i1 to i32
          %sign3A_202 = arith.subi %sign3A_198, %sign3A_201 : i32
          %ne3A_203 = arith.cmpi ne, %sign3A_195, %sign3A_202 : i32
          %rem3A_204 = arith.remsi %sub3A_174, %jit3A_187 : i32
          %ne3A_205 = arith.constant 0 : i32
          %ne3A_206 = arith.cmpi ne, %rem3A_204, %ne3A_205 : i32
          %and3A_207 = arith.andi %ne3A_203, %ne3A_206 : i1
          %sub3A_208 = arith.constant 1 : i32
          %sub3A_209 = arith.subi %div3A_188, %sub3A_208 : i32
          %select_n3A_210 = arith.select %and3A_207, %sub3A_209, %div3A_188 : i32
          %jit3A_211 = arith.constant 100 : i32
          %eq3A_212 = arith.constant 0 : i32
          %eq3A_213 = arith.cmpi eq, %jit3A_211, %eq3A_212 : i32
          %jit3A_214 = arith.constant 1 : i32
          %select_n3A_215 = arith.select %eq3A_213, %jit3A_214, %jit3A_211 : i32
          %rem3A_216 = arith.remsi %sub3A_174, %select_n3A_215 : i32
          %ne3A_217 = arith.constant 0 : i32
          %ne3A_218 = arith.cmpi ne, %rem3A_216, %ne3A_217 : i32
          %lt3A_219 = arith.constant 0 : i32
          %lt3A_220 = arith.cmpi slt, %rem3A_216, %lt3A_219 : i32
          %lt3A_221 = arith.constant 0 : i32
          %lt3A_222 = arith.cmpi slt, %select_n3A_215, %lt3A_221 : i32
          %ne3A_223 = arith.xori %lt3A_220, %lt3A_222 : i1
          %and3A_224 = arith.andi %ne3A_223, %ne3A_218 : i1
          %add3A_225 = arith.addi %rem3A_216, %select_n3A_215 : i32
          %select_n3A_226 = arith.select %and3A_224, %add3A_225, %rem3A_216 : i32
          %mul3A_227 = arith.constant 6400 : i32
          %mul3A_228 = arith.muli %select_n3A_226, %mul3A_227 : i32
          %mul3A_229 = arith.constant 8 : i32
          %mul3A_230 = arith.muli %select_n3A_210, %mul3A_229 : i32
          %multiple_of3A_231 = tpu.assume_multiple %mul3A_230, 8 : i32
          %dma_wait3A_232 = tpu.memref_slice %arg4[%multiple_of3A_231, %mul3A_228] : memref<100x640000xf32, #tpu.memory_space<hbm>> -> memref<8x6400xf32, #tpu.memory_space<hbm>>
          %dma_wait3A_233 = tpu.memref_slice %arg4[%multiple_of3A_231, %mul3A_228] : memref<100x640000xf32, #tpu.memory_space<hbm>> -> memref<8x6400xf32, #tpu.memory_space<hbm>>
          tpu.wait_dma2 semaphore(%arg9 : memref<!tpu.dma_semaphore, #tpu.memory_space<semaphore_mem>>) src(%arg5 : memref<8x6400xf32, #tpu.memory_space<vmem>>) dst(%dma_wait3A_233 : memref<8x6400xf32, #tpu.memory_space<hbm>>)
        } else {
        }
        %add3A_180 = arith.constant 32 : i32
        %add3A_181 = arith.addi %add3A_55, %add3A_180 : i32
        %lt3A_182 = arith.constant 1200 : i32
        %lt3A_183 = arith.cmpi slt, %add3A_181, %lt3A_182 : i32
        %convert_element_type3A_184 = arith.extui %lt3A_183 : i1 to i32
        %cond3A_185 = arith.constant 0 : i32
        %cond3A_186 = arith.cmpi ne, %convert_element_type3A_184, %cond3A_185 : i32
        scf.if %cond3A_186 {
          %jit3A_187 = arith.constant 100 : i32
          %div3A_188 = arith.divsi %add3A_181, %jit3A_187 : i32
          %sign3A_189 = arith.constant 0 : i32
          %sign3A_190 = arith.cmpi sgt, %add3A_181, %sign3A_189 : i32
          %sign3A_191 = arith.extui %sign3A_190 : i1 to i32
          %sign3A_192 = arith.constant 0 : i32
          %sign3A_193 = arith.cmpi slt, %add3A_181, %sign3A_192 : i32
          %sign3A_194 = arith.extui %sign3A_193 : i1 to i32
          %sign3A_195 = arith.subi %sign3A_191, %sign3A_194 : i32
          %sign3A_196 = arith.constant 0 : i32
          %sign3A_197 = arith.cmpi sgt, %jit3A_187, %sign3A_196 : i32
          %sign3A_198 = arith.extui %sign3A_197 : i1 to i32
          %sign3A_199 = arith.constant 0 : i32
          %sign3A_200 = arith.cmpi slt, %jit3A_187, %sign3A_199 : i32
          %sign3A_201 = arith.extui %sign3A_200 : i1 to i32
          %sign3A_202 = arith.subi %sign3A_198, %sign3A_201 : i32
          %ne3A_203 = arith.cmpi ne, %sign3A_195, %sign3A_202 : i32
          %rem3A_204 = arith.remsi %add3A_181, %jit3A_187 : i32
          %ne3A_205 = arith.constant 0 : i32
          %ne3A_206 = arith.cmpi ne, %rem3A_204, %ne3A_205 : i32
          %and3A_207 = arith.andi %ne3A_203, %ne3A_206 : i1
          %sub3A_208 = arith.constant 1 : i32
          %sub3A_209 = arith.subi %div3A_188, %sub3A_208 : i32
          %select_n3A_210 = arith.select %and3A_207, %sub3A_209, %div3A_188 : i32
          %jit3A_211 = arith.constant 100 : i32
          %eq3A_212 = arith.constant 0 : i32
          %eq3A_213 = arith.cmpi eq, %jit3A_211, %eq3A_212 : i32
          %jit3A_214 = arith.constant 1 : i32
          %select_n3A_215 = arith.select %eq3A_213, %jit3A_214, %jit3A_211 : i32
          %rem3A_216 = arith.remsi %add3A_181, %select_n3A_215 : i32
          %ne3A_217 = arith.constant 0 : i32
          %ne3A_218 = arith.cmpi ne, %rem3A_216, %ne3A_217 : i32
          %lt3A_219 = arith.constant 0 : i32
          %lt3A_220 = arith.cmpi slt, %rem3A_216, %lt3A_219 : i32
          %lt3A_221 = arith.constant 0 : i32
          %lt3A_222 = arith.cmpi slt, %select_n3A_215, %lt3A_221 : i32
          %ne3A_223 = arith.xori %lt3A_220, %lt3A_222 : i1
          %and3A_224 = arith.andi %ne3A_223, %ne3A_218 : i1
          %add3A_225 = arith.addi %rem3A_216, %select_n3A_215 : i32
          %select_n3A_226 = arith.select %and3A_224, %add3A_225, %rem3A_216 : i32
          %mul3A_227 = arith.constant 6400 : i32
          %mul3A_228 = arith.muli %select_n3A_226, %mul3A_227 : i32
          %mul3A_229 = arith.constant 8 : i32
          %mul3A_230 = arith.muli %select_n3A_210, %mul3A_229 : i32
          %multiple_of3A_231 = tpu.assume_multiple %mul3A_230, 8 : i32
          %dma_start3A_232 = tpu.memref_slice %arg2[%multiple_of3A_231, %mul3A_228] : memref<100x640000xf32, #tpu.memory_space<hbm>> -> memref<8x6400xf32, #tpu.memory_space<hbm>>
          %dma_start3A_233 = tpu.memref_slice %arg2[%multiple_of3A_231, %mul3A_228] : memref<100x640000xf32, #tpu.memory_space<hbm>> -> memref<8x6400xf32, #tpu.memory_space<hbm>>
          tpu.enqueue_dma source(%dma_start3A_233 : memref<8x6400xf32, #tpu.memory_space<hbm>>) target(%arg5 : memref<8x6400xf32, #tpu.memory_space<vmem>>) target_semaphore(%arg7 : memref<!tpu.dma_semaphore, #tpu.memory_space<semaphore_mem>>)
        } else {
        }
      } else {
      }
    }
    %scan3A_7 = arith.constant 19 : i32
    %add3A_8 = arith.constant 1152 : i32
    %add3A_9 = arith.addi %add3A, %add3A_8 : i32
    %lt3A_10 = arith.constant 1200 : i32
    %lt3A_11 = arith.cmpi slt, %add3A_9, %lt3A_10 : i32
    %add3A_12 = arith.constant 32 : i32
    %add3A_13 = arith.addi %add3A_9, %add3A_12 : i32
    %ge3A = arith.constant 1200 : i32
    %ge3A_14 = arith.cmpi sge, %add3A_13, %ge3A : i32
    %and3A = arith.andi %lt3A_11, %ge3A_14 : i1
    %convert_element_type3A_15 = arith.extui %and3A : i1 to i32
    %cond3A_16 = arith.constant 0 : i32
    %cond3A_17 = arith.cmpi ne, %convert_element_type3A_15, %cond3A_16 : i32
    scf.if %cond3A_17 {
      %jit3A = arith.constant 100 : i32
      %div3A = arith.divsi %add3A_9, %jit3A : i32
      %sign3A = arith.constant 0 : i32
      %sign3A_36 = arith.cmpi sgt, %add3A_9, %sign3A : i32
      %sign3A_37 = arith.extui %sign3A_36 : i1 to i32
      %sign3A_38 = arith.constant 0 : i32
      %sign3A_39 = arith.cmpi slt, %add3A_9, %sign3A_38 : i32
      %sign3A_40 = arith.extui %sign3A_39 : i1 to i32
      %sign3A_41 = arith.subi %sign3A_37, %sign3A_40 : i32
      %sign3A_42 = arith.constant 0 : i32
      %sign3A_43 = arith.cmpi sgt, %jit3A, %sign3A_42 : i32
      %sign3A_44 = arith.extui %sign3A_43 : i1 to i32
      %sign3A_45 = arith.constant 0 : i32
      %sign3A_46 = arith.cmpi slt, %jit3A, %sign3A_45 : i32
      %sign3A_47 = arith.extui %sign3A_46 : i1 to i32
      %sign3A_48 = arith.subi %sign3A_44, %sign3A_47 : i32
      %ne3A = arith.cmpi ne, %sign3A_41, %sign3A_48 : i32
      %rem3A = arith.remsi %add3A_9, %jit3A : i32
      %ne3A_49 = arith.constant 0 : i32
      %ne3A_50 = arith.cmpi ne, %rem3A, %ne3A_49 : i32
      %and3A_51 = arith.andi %ne3A, %ne3A_50 : i1
      %sub3A = arith.constant 1 : i32
      %sub3A_52 = arith.subi %div3A, %sub3A : i32
      %select_n3A = arith.select %and3A_51, %sub3A_52, %div3A : i32
      %jit3A_53 = arith.constant 100 : i32
      %eq3A = arith.constant 0 : i32
      %eq3A_54 = arith.cmpi eq, %jit3A_53, %eq3A : i32
      %jit3A_55 = arith.constant 1 : i32
      %select_n3A_56 = arith.select %eq3A_54, %jit3A_55, %jit3A_53 : i32
      %rem3A_57 = arith.remsi %add3A_9, %select_n3A_56 : i32
      %ne3A_58 = arith.constant 0 : i32
      %ne3A_59 = arith.cmpi ne, %rem3A_57, %ne3A_58 : i32
      %lt3A_60 = arith.constant 0 : i32
      %lt3A_61 = arith.cmpi slt, %rem3A_57, %lt3A_60 : i32
      %lt3A_62 = arith.constant 0 : i32
      %lt3A_63 = arith.cmpi slt, %select_n3A_56, %lt3A_62 : i32
      %ne3A_64 = arith.xori %lt3A_61, %lt3A_63 : i1
      %and3A_65 = arith.andi %ne3A_64, %ne3A_59 : i1
      %add3A_66 = arith.addi %rem3A_57, %select_n3A_56 : i32
      %select_n3A_67 = arith.select %and3A_65, %add3A_66, %rem3A_57 : i32
      %mul3A_68 = arith.constant 6400 : i32
      %mul3A_69 = arith.muli %select_n3A_67, %mul3A_68 : i32
      %mul3A_70 = arith.constant 8 : i32
      %mul3A_71 = arith.muli %select_n3A, %mul3A_70 : i32
      %multiple_of3A = tpu.assume_multiple %mul3A_71, 8 : i32
      %dma_wait3A = tpu.memref_slice %arg4[%multiple_of3A, %mul3A_69] : memref<100x640000xf32, #tpu.memory_space<hbm>> -> memref<8x6400xf32, #tpu.memory_space<hbm>>
      %dma_wait3A_72 = tpu.memref_slice %arg4[%multiple_of3A, %mul3A_69] : memref<100x640000xf32, #tpu.memory_space<hbm>> -> memref<8x6400xf32, #tpu.memory_space<hbm>>
      tpu.wait_dma2 semaphore(%arg9 : memref<!tpu.dma_semaphore, #tpu.memory_space<semaphore_mem>>) src(%arg5 : memref<8x6400xf32, #tpu.memory_space<vmem>>) dst(%dma_wait3A_72 : memref<8x6400xf32, #tpu.memory_space<hbm>>)
    } else {
    }
    %add3A_18 = arith.constant 1184 : i32
    %add3A_19 = arith.addi %add3A, %add3A_18 : i32
    %lt3A_20 = arith.constant 1200 : i32
    %lt3A_21 = arith.cmpi slt, %add3A_19, %lt3A_20 : i32
    %add3A_22 = arith.constant 32 : i32
    %add3A_23 = arith.addi %add3A_19, %add3A_22 : i32
    %ge3A_24 = arith.constant 1200 : i32
    %ge3A_25 = arith.cmpi sge, %add3A_23, %ge3A_24 : i32
    %and3A_26 = arith.andi %lt3A_21, %ge3A_25 : i1
    %convert_element_type3A_27 = arith.extui %and3A_26 : i1 to i32
    %cond3A_28 = arith.constant 0 : i32
    %cond3A_29 = arith.cmpi ne, %convert_element_type3A_27, %cond3A_28 : i32
    scf.if %cond3A_29 {
      %jit3A = arith.constant 100 : i32
      %div3A = arith.divsi %add3A_19, %jit3A : i32
      %sign3A = arith.constant 0 : i32
      %sign3A_36 = arith.cmpi sgt, %add3A_19, %sign3A : i32
      %sign3A_37 = arith.extui %sign3A_36 : i1 to i32
      %sign3A_38 = arith.constant 0 : i32
      %sign3A_39 = arith.cmpi slt, %add3A_19, %sign3A_38 : i32
      %sign3A_40 = arith.extui %sign3A_39 : i1 to i32
      %sign3A_41 = arith.subi %sign3A_37, %sign3A_40 : i32
      %sign3A_42 = arith.constant 0 : i32
      %sign3A_43 = arith.cmpi sgt, %jit3A, %sign3A_42 : i32
      %sign3A_44 = arith.extui %sign3A_43 : i1 to i32
      %sign3A_45 = arith.constant 0 : i32
      %sign3A_46 = arith.cmpi slt, %jit3A, %sign3A_45 : i32
      %sign3A_47 = arith.extui %sign3A_46 : i1 to i32
      %sign3A_48 = arith.subi %sign3A_44, %sign3A_47 : i32
      %ne3A = arith.cmpi ne, %sign3A_41, %sign3A_48 : i32
      %rem3A = arith.remsi %add3A_19, %jit3A : i32
      %ne3A_49 = arith.constant 0 : i32
      %ne3A_50 = arith.cmpi ne, %rem3A, %ne3A_49 : i32
      %and3A_51 = arith.andi %ne3A, %ne3A_50 : i1
      %sub3A = arith.constant 1 : i32
      %sub3A_52 = arith.subi %div3A, %sub3A : i32
      %select_n3A = arith.select %and3A_51, %sub3A_52, %div3A : i32
      %jit3A_53 = arith.constant 100 : i32
      %eq3A = arith.constant 0 : i32
      %eq3A_54 = arith.cmpi eq, %jit3A_53, %eq3A : i32
      %jit3A_55 = arith.constant 1 : i32
      %select_n3A_56 = arith.select %eq3A_54, %jit3A_55, %jit3A_53 : i32
      %rem3A_57 = arith.remsi %add3A_19, %select_n3A_56 : i32
      %ne3A_58 = arith.constant 0 : i32
      %ne3A_59 = arith.cmpi ne, %rem3A_57, %ne3A_58 : i32
      %lt3A_60 = arith.constant 0 : i32
      %lt3A_61 = arith.cmpi slt, %rem3A_57, %lt3A_60 : i32
      %lt3A_62 = arith.constant 0 : i32
      %lt3A_63 = arith.cmpi slt, %select_n3A_56, %lt3A_62 : i32
      %ne3A_64 = arith.xori %lt3A_61, %lt3A_63 : i1
      %and3A_65 = arith.andi %ne3A_64, %ne3A_59 : i1
      %add3A_66 = arith.addi %rem3A_57, %select_n3A_56 : i32
      %select_n3A_67 = arith.select %and3A_65, %add3A_66, %rem3A_57 : i32
      %mul3A_68 = arith.constant 6400 : i32
      %mul3A_69 = arith.muli %select_n3A_67, %mul3A_68 : i32
      %mul3A_70 = arith.constant 8 : i32
      %mul3A_71 = arith.muli %select_n3A, %mul3A_70 : i32
      %multiple_of3A = tpu.assume_multiple %mul3A_71, 8 : i32
      %dma_wait3A = tpu.memref_slice %arg4[%multiple_of3A, %mul3A_69] : memref<100x640000xf32, #tpu.memory_space<hbm>> -> memref<8x6400xf32, #tpu.memory_space<hbm>>
      %dma_wait3A_72 = tpu.memref_slice %arg4[%multiple_of3A, %mul3A_69] : memref<100x640000xf32, #tpu.memory_space<hbm>> -> memref<8x6400xf32, #tpu.memory_space<hbm>>
      tpu.wait_dma2 semaphore(%arg10 : memref<!tpu.dma_semaphore, #tpu.memory_space<semaphore_mem>>) src(%arg6 : memref<8x6400xf32, #tpu.memory_space<vmem>>) dst(%dma_wait3A_72 : memref<8x6400xf32, #tpu.memory_space<hbm>>)
    } else {
    }
    %scan3A_30 = arith.constant 0 : i32
    %scan3A_31 = arith.constant 0 : i32
    %scan3A_32 = arith.constant 4 : i32
    %scan3A_33 = arith.addi %scan3A_31, %scan3A_32 : i32
    %scan3A_34 = arith.constant 1 : i32
    scf.for %scan3A_36 = %scan3A_31 to %scan3A_33 step %scan3A_34  : i32 {
      %mul3A_37 = arith.constant 32 : i32
      %mul3A_38 = arith.muli %mul3A_37, %scan3A_36 : i32
      %add3A_39 = arith.addi %add3A, %mul3A_38 : i32
      %lt3A_40 = arith.constant 100 : i32
      %lt3A_41 = arith.cmpi slt, %add3A_39, %lt3A_40 : i32
      %convert_element_type3A_42 = arith.extui %lt3A_41 : i1 to i32
      %cond3A_43 = arith.constant 0 : i32
      %cond3A_44 = arith.cmpi ne, %convert_element_type3A_42, %cond3A_43 : i32
      scf.if %cond3A_44 {
        %mul3A_45 = arith.constant 6400 : i32
        %mul3A_46 = arith.muli %add3A_39, %mul3A_45 : i32
        %dma_start3A = arith.constant 0 : i32
        %dma_start3A_47 = arith.constant 0 : i32
        %dma_start3A_48 = tpu.memref_slice %arg5[%dma_start3A, %dma_start3A_47] : memref<8x6400xf32, #tpu.memory_space<vmem>> -> memref<4x6400xf32, #tpu.memory_space<vmem>>
        %dma_start3A_49 = arith.constant 96 : i32
        %dma_start3A_50 = tpu.memref_slice %arg2[%dma_start3A_49, %mul3A_46] : memref<100x640000xf32, #tpu.memory_space<hbm>> -> memref<4x6400xf32, #tpu.memory_space<hbm>>
        %dma_start3A_51 = arith.constant 0 : i32
        %dma_start3A_52 = arith.constant 0 : i32
        %dma_start3A_53 = tpu.memref_slice %arg5[%dma_start3A_51, %dma_start3A_52] : memref<8x6400xf32, #tpu.memory_space<vmem>> -> memref<4x6400xf32, #tpu.memory_space<vmem>>
        %dma_start3A_54 = arith.constant 96 : i32
        %dma_start3A_55 = tpu.memref_slice %arg2[%dma_start3A_54, %mul3A_46] : memref<100x640000xf32, #tpu.memory_space<hbm>> -> memref<4x6400xf32, #tpu.memory_space<hbm>>
        tpu.enqueue_dma source(%dma_start3A_55 : memref<4x6400xf32, #tpu.memory_space<hbm>>) target(%dma_start3A_53 : memref<4x6400xf32, #tpu.memory_space<vmem>>) target_semaphore(%arg7 : memref<!tpu.dma_semaphore, #tpu.memory_space<semaphore_mem>>)
        %dma_wait3A = arith.constant 0 : i32
        %dma_wait3A_56 = arith.constant 0 : i32
        %dma_wait3A_57 = tpu.memref_slice %arg5[%dma_wait3A, %dma_wait3A_56] : memref<8x6400xf32, #tpu.memory_space<vmem>> -> memref<4x6400xf32, #tpu.memory_space<vmem>>
        %dma_wait3A_58 = arith.constant 96 : i32
        %dma_wait3A_59 = tpu.memref_slice %arg2[%dma_wait3A_58, %mul3A_46] : memref<100x640000xf32, #tpu.memory_space<hbm>> -> memref<4x6400xf32, #tpu.memory_space<hbm>>
        %dma_wait3A_60 = arith.constant 0 : i32
        %dma_wait3A_61 = arith.constant 0 : i32
        %dma_wait3A_62 = tpu.memref_slice %arg5[%dma_wait3A_60, %dma_wait3A_61] : memref<8x6400xf32, #tpu.memory_space<vmem>> -> memref<4x6400xf32, #tpu.memory_space<vmem>>
        %dma_wait3A_63 = arith.constant 96 : i32
        %dma_wait3A_64 = tpu.memref_slice %arg2[%dma_wait3A_63, %mul3A_46] : memref<100x640000xf32, #tpu.memory_space<hbm>> -> memref<4x6400xf32, #tpu.memory_space<hbm>>
        tpu.wait_dma2 semaphore(%arg7 : memref<!tpu.dma_semaphore, #tpu.memory_space<semaphore_mem>>) src(%dma_wait3A_64 : memref<4x6400xf32, #tpu.memory_space<hbm>>) dst(%dma_wait3A_62 : memref<4x6400xf32, #tpu.memory_space<vmem>>)
        %dma_start3A_65 = arith.constant 0 : i32
        %dma_start3A_66 = arith.constant 0 : i32
        %dma_start3A_67 = tpu.memref_slice %arg5[%dma_start3A_65, %dma_start3A_66] : memref<8x6400xf32, #tpu.memory_space<vmem>> -> memref<4x6400xf32, #tpu.memory_space<vmem>>
        %dma_start3A_68 = arith.constant 96 : i32
        %dma_start3A_69 = tpu.memref_slice %arg4[%dma_start3A_68, %mul3A_46] : memref<100x640000xf32, #tpu.memory_space<hbm>> -> memref<4x6400xf32, #tpu.memory_space<hbm>>
        %dma_start3A_70 = arith.constant 96 : i32
        %dma_start3A_71 = tpu.memref_slice %arg4[%dma_start3A_70, %mul3A_46] : memref<100x640000xf32, #tpu.memory_space<hbm>> -> memref<4x6400xf32, #tpu.memory_space<hbm>>
        %dma_start3A_72 = arith.constant 0 : i32
        %dma_start3A_73 = arith.constant 0 : i32
        %dma_start3A_74 = tpu.memref_slice %arg5[%dma_start3A_72, %dma_start3A_73] : memref<8x6400xf32, #tpu.memory_space<vmem>> -> memref<4x6400xf32, #tpu.memory_space<vmem>>
        tpu.enqueue_dma source(%dma_start3A_74 : memref<4x6400xf32, #tpu.memory_space<vmem>>) target(%dma_start3A_71 : memref<4x6400xf32, #tpu.memory_space<hbm>>) target_semaphore(%arg7 : memref<!tpu.dma_semaphore, #tpu.memory_space<semaphore_mem>>)
        %dma_wait3A_75 = arith.constant 0 : i32
        %dma_wait3A_76 = arith.constant 0 : i32
        %dma_wait3A_77 = tpu.memref_slice %arg5[%dma_wait3A_75, %dma_wait3A_76] : memref<8x6400xf32, #tpu.memory_space<vmem>> -> memref<4x6400xf32, #tpu.memory_space<vmem>>
        %dma_wait3A_78 = arith.constant 96 : i32
        %dma_wait3A_79 = tpu.memref_slice %arg4[%dma_wait3A_78, %mul3A_46] : memref<100x640000xf32, #tpu.memory_space<hbm>> -> memref<4x6400xf32, #tpu.memory_space<hbm>>
        %dma_wait3A_80 = arith.constant 96 : i32
        %dma_wait3A_81 = tpu.memref_slice %arg4[%dma_wait3A_80, %mul3A_46] : memref<100x640000xf32, #tpu.memory_space<hbm>> -> memref<4x6400xf32, #tpu.memory_space<hbm>>
        %dma_wait3A_82 = arith.constant 0 : i32
        %dma_wait3A_83 = arith.constant 0 : i32
        %dma_wait3A_84 = tpu.memref_slice %arg5[%dma_wait3A_82, %dma_wait3A_83] : memref<8x6400xf32, #tpu.memory_space<vmem>> -> memref<4x6400xf32, #tpu.memory_space<vmem>>
        tpu.wait_dma2 semaphore(%arg7 : memref<!tpu.dma_semaphore, #tpu.memory_space<semaphore_mem>>) src(%dma_wait3A_84 : memref<4x6400xf32, #tpu.memory_space<vmem>>) dst(%dma_wait3A_81 : memref<4x6400xf32, #tpu.memory_space<hbm>>)
      } else {
      }
    }
    %scan3A_35 = arith.constant 4 : i32
    return
  }
}

module attributes {stable_mosaic.version = 14 : i64} {
  func.func @_tc_body(%arg0: i32, %arg1: memref<25600xf32, #tpu.memory_space<vmem>>, %arg2: memref<16x25600xf32, #tpu.memory_space<vmem>>, %arg3: memref<16x25600xf32, #tpu.memory_space<vmem>>, %arg4: memref<25600xf32, #tpu.memory_space<vmem>>, %arg5: memref<25600xf32, #tpu.memory_space<vmem>>, %arg6: memref<25600xf32, #tpu.memory_space<vmem>>, %arg7: memref<25600xf32, #tpu.memory_space<vmem>>, %arg8: memref<25600xf32, #tpu.memory_space<vmem>>, %arg9: memref<640000xf32, #tpu.memory_space<vmem>>, %arg10: memref<640000xf32, #tpu.memory_space<vmem>>, %arg11: memref<1xf32, #tpu.memory_space<smem>>) attributes {dimension_semantics = [#tpu.dimension_semantics<arbitrary>], iteration_bounds = array<i64: 50>, scalar_prefetch = 0 : i64, scratch_operands = 3 : i64, tpu.core_type = #tpu.core_type<tc>, window_params = [{transform_indices = @transform_0, window_bounds = array<i64: 25600>}, {transform_indices = @transform_1, window_bounds = array<i64: 16, 25600>}, {transform_indices = @transform_2, window_bounds = array<i64: 16, 25600>}, {transform_indices = @transform_3, window_bounds = array<i64: 25600>}, {transform_indices = @transform_4, window_bounds = array<i64: 25600>}, {transform_indices = @transform_5, window_bounds = array<i64: 25600>}, {transform_indices = @transform_6, window_bounds = array<i64: 25600>}, {transform_indices = @transform_7, window_bounds = array<i64: 25600>}]} {
    %lt3A = arith.constant 25 : i32
    %lt3A_0 = arith.cmpi slt, %arg0, %lt3A : i32
    %convert_element_type3A = arith.extui %lt3A_0 : i1 to i32
    %cond3A = arith.constant 0 : i32
    %cond3A_1 = arith.cmpi ne, %convert_element_type3A, %cond3A : i32
    scf.if %cond3A_1 {
      %get3A = arith.constant 0 : index
      %get3A_6 = vector.load %arg4[%get3A] : memref<25600xf32, #tpu.memory_space<vmem>>, vector<25600xf32>
      %mul3A = arith.constant 9.900000e-01 : f32
      %mul3A_7 = vector.broadcast %mul3A : f32 to vector<25600xf32>
      %mul3A_8 = arith.mulf %mul3A_7, %get3A_6 : vector<25600xf32>
      %get3A_9 = arith.constant 0 : index
      %get3A_10 = vector.load %arg1[%get3A_9] : memref<25600xf32, #tpu.memory_space<vmem>>, vector<25600xf32>
      %abs3A = math.absf %get3A_10 : vector<25600xf32>
      %mul3A_11 = arith.constant 0.00999999977 : f32
      %mul3A_12 = vector.broadcast %mul3A_11 : f32 to vector<25600xf32>
      %mul3A_13 = arith.mulf %mul3A_12, %abs3A : vector<25600xf32>
      %add3A = arith.addf %mul3A_8, %mul3A_13 : vector<25600xf32>
      %swap3A = arith.constant 0 : index
      %swap3A_14 = vector.load %arg6[%swap3A] : memref<25600xf32, #tpu.memory_space<vmem>>, vector<25600xf32>
      tpu.vector_store %arg6[%swap3A], %add3A {strides = array<i32>} : memref<25600xf32, #tpu.memory_space<vmem>>, vector<25600xf32>,
      %mul3A_15 = arith.constant 25600 : i32
      %mul3A_16 = arith.muli %arg0, %mul3A_15 : i32
      %swap3A_17 = arith.index_cast %mul3A_16 : i32 to index
      %swap3A_18 = vector.load %arg9[%swap3A_17] : memref<640000xf32, #tpu.memory_space<vmem>>, vector<25600xf32>
      tpu.vector_store %arg9[%swap3A_17], %add3A {strides = array<i32>} : memref<640000xf32, #tpu.memory_space<vmem>>, vector<25600xf32>,
      %reduce_max3A = vector.shape_cast %add3A : vector<25600xf32> to vector<1x25600xf32>
      %reduce_max3A_19 = arith.constant dense<0xFF800000> : vector<1xf32>
      %reduce_max3A_20 = vector.multi_reduction <maximumf>, %reduce_max3A, %reduce_max3A_19 [1] : vector<1x25600xf32> to vector<1xf32>
      %reduce_max3A_21 = vector.shape_cast %reduce_max3A_20 : vector<1xf32> to vector<1x1xf32>
      %reduce_max3A_22 = vector.extract %reduce_max3A_21[0, 0] : f32 from vector<1x1xf32>
      %eq3A = arith.constant 0 : i32
      %eq3A_23 = arith.cmpi eq, %arg0, %eq3A : i32
      %get3A_24 = arith.constant 0 : index
      %get3A_25 = memref.load %arg11[%get3A_24] : memref<1xf32, #tpu.memory_space<smem>>
      %jit3A = arith.constant 0.000000e+00 : f32
      %select_n3A = arith.select %eq3A_23, %jit3A, %get3A_25 : f32
      %max3A = arith.maximumf %select_n3A, %reduce_max3A_22 : f32
      %swap3A_26 = arith.constant 0 : index
      %swap3A_27 = memref.load %arg11[%swap3A_26] : memref<1xf32, #tpu.memory_space<smem>>
      memref.store %max3A, %arg11[%swap3A_26] : memref<1xf32, #tpu.memory_space<smem>>
      %get3A_28 = arith.constant 0 : index
      %get3A_29 = arith.constant 0 : index
      %get3A_30 = vector.load %arg2[%get3A_28, %get3A_29] : memref<16x25600xf32, #tpu.memory_space<vmem>>, vector<16x25600xf32>
      %get3A_31 = arith.constant 0 : index
      %get3A_32 = arith.constant 0 : index
      %get3A_33 = vector.load %arg3[%get3A_31, %get3A_32] : memref<16x25600xf32, #tpu.memory_space<vmem>>, vector<16x25600xf32>
      %reduce_sum3A = arith.constant dense<0.000000e+00> : vector<25600xf32>
      %reduce_sum3A_34 = vector.multi_reduction <add>, %get3A_30, %reduce_sum3A [0] : vector<16x25600xf32> to vector<25600xf32>
      %reduce_sum3A_35 = arith.constant dense<0.000000e+00> : vector<25600xf32>
      %reduce_sum3A_36 = vector.multi_reduction <add>, %get3A_33, %reduce_sum3A_35 [0] : vector<16x25600xf32> to vector<25600xf32>
      %mul3A_37 = arith.mulf %get3A_30, %get3A_33 : vector<16x25600xf32>
      %reduce_sum3A_38 = arith.constant dense<0.000000e+00> : vector<25600xf32>
      %reduce_sum3A_39 = vector.multi_reduction <add>, %mul3A_37, %reduce_sum3A_38 [0] : vector<16x25600xf32> to vector<25600xf32>
      %mul3A_40 = arith.mulf %get3A_30, %get3A_30 : vector<16x25600xf32>
      %reduce_sum3A_41 = arith.constant dense<0.000000e+00> : vector<25600xf32>
      %reduce_sum3A_42 = vector.multi_reduction <add>, %mul3A_40, %reduce_sum3A_41 [0] : vector<16x25600xf32> to vector<25600xf32>
      %mul3A_43 = arith.mulf %get3A_33, %get3A_33 : vector<16x25600xf32>
      %reduce_sum3A_44 = arith.constant dense<0.000000e+00> : vector<25600xf32>
      %reduce_sum3A_45 = vector.multi_reduction <add>, %mul3A_43, %reduce_sum3A_44 [0] : vector<16x25600xf32> to vector<25600xf32>
      %mul3A_46 = arith.mulf %reduce_sum3A_34, %reduce_sum3A_36 : vector<25600xf32>
      %mul3A_47 = arith.constant 6.250000e-02 : f32
      %mul3A_48 = vector.broadcast %mul3A_47 : f32 to vector<25600xf32>
      %mul3A_49 = arith.mulf %mul3A_46, %mul3A_48 : vector<25600xf32>
      %sub3A = arith.subf %reduce_sum3A_39, %mul3A_49 : vector<25600xf32>
      %mul3A_50 = arith.mulf %reduce_sum3A_34, %reduce_sum3A_34 : vector<25600xf32>
      %mul3A_51 = arith.constant 6.250000e-02 : f32
      %mul3A_52 = vector.broadcast %mul3A_51 : f32 to vector<25600xf32>
      %mul3A_53 = arith.mulf %mul3A_50, %mul3A_52 : vector<25600xf32>
      %sub3A_54 = arith.subf %reduce_sum3A_42, %mul3A_53 : vector<25600xf32>
      %mul3A_55 = arith.mulf %reduce_sum3A_36, %reduce_sum3A_36 : vector<25600xf32>
      %mul3A_56 = arith.constant 6.250000e-02 : f32
      %mul3A_57 = vector.broadcast %mul3A_56 : f32 to vector<25600xf32>
      %mul3A_58 = arith.mulf %mul3A_55, %mul3A_57 : vector<25600xf32>
      %sub3A_59 = arith.subf %reduce_sum3A_45, %mul3A_58 : vector<25600xf32>
      %sqrt3A = math.sqrt %sub3A_54 : vector<25600xf32>
      %add3A_60 = arith.constant 9.99999997E-7 : f32
      %add3A_61 = vector.broadcast %add3A_60 : f32 to vector<25600xf32>
      %add3A_62 = arith.addf %sqrt3A, %add3A_61 : vector<25600xf32>
      %sqrt3A_63 = math.sqrt %sub3A_59 : vector<25600xf32>
      %add3A_64 = arith.constant 9.99999997E-7 : f32
      %add3A_65 = vector.broadcast %add3A_64 : f32 to vector<25600xf32>
      %add3A_66 = arith.addf %sqrt3A_63, %add3A_65 : vector<25600xf32>
      %mul3A_67 = arith.mulf %add3A_62, %add3A_66 : vector<25600xf32>
      %div3A = arith.divf %sub3A, %mul3A_67 : vector<25600xf32>
      %get3A_68 = arith.constant 0 : index
      %get3A_69 = vector.load %arg5[%get3A_68] : memref<25600xf32, #tpu.memory_space<vmem>>, vector<25600xf32>
      %mul3A_70 = arith.constant 9.900000e-01 : f32
      %mul3A_71 = vector.broadcast %mul3A_70 : f32 to vector<25600xf32>
      %mul3A_72 = arith.mulf %mul3A_71, %get3A_69 : vector<25600xf32>
      %abs3A_73 = math.absf %div3A : vector<25600xf32>
      %mul3A_74 = arith.constant 0.00999999977 : f32
      %mul3A_75 = vector.broadcast %mul3A_74 : f32 to vector<25600xf32>
      %mul3A_76 = arith.mulf %mul3A_75, %abs3A_73 : vector<25600xf32>
      %add3A_77 = arith.addf %mul3A_72, %mul3A_76 : vector<25600xf32>
      %swap3A_78 = arith.constant 0 : index
      %swap3A_79 = vector.load %arg7[%swap3A_78] : memref<25600xf32, #tpu.memory_space<vmem>>, vector<25600xf32>
      tpu.vector_store %arg7[%swap3A_78], %add3A_77 {strides = array<i32>} : memref<25600xf32, #tpu.memory_space<vmem>>, vector<25600xf32>,
      %mul3A_80 = arith.constant 25600 : i32
      %mul3A_81 = arith.muli %arg0, %mul3A_80 : i32
      %swap3A_82 = arith.index_cast %mul3A_81 : i32 to index
      %swap3A_83 = vector.load %arg10[%swap3A_82] : memref<640000xf32, #tpu.memory_space<vmem>>, vector<25600xf32>
      tpu.vector_store %arg10[%swap3A_82], %add3A_77 {strides = array<i32>} : memref<640000xf32, #tpu.memory_space<vmem>>, vector<25600xf32>,
    } else {
    }
    %ge3A = arith.constant 25 : i32
    %ge3A_2 = arith.cmpi sge, %arg0, %ge3A : i32
    %convert_element_type3A_3 = arith.extui %ge3A_2 : i1 to i32
    %cond3A_4 = arith.constant 0 : i32
    %cond3A_5 = arith.cmpi ne, %convert_element_type3A_3, %cond3A_4 : i32
    scf.if %cond3A_5 {
      %sub3A = arith.constant 25 : i32
      %sub3A_6 = arith.subi %arg0, %sub3A : i32
      %get3A = arith.constant 0 : index
      %get3A_7 = memref.load %arg11[%get3A] : memref<1xf32, #tpu.memory_space<smem>>
      %add3A = arith.constant 9.99999997E-7 : f32
      %add3A_8 = arith.addf %get3A_7, %add3A : f32
      %div3A = arith.constant 4.000000e-01 : f32
      %div3A_9 = arith.divf %div3A, %add3A_8 : f32
      %mul3A = arith.constant 25600 : i32
      %mul3A_10 = arith.muli %sub3A_6, %mul3A : i32
      %get3A_11 = arith.index_cast %mul3A_10 : i32 to index
      %get3A_12 = vector.load %arg9[%get3A_11] : memref<640000xf32, #tpu.memory_space<vmem>>, vector<25600xf32>
      %mul3A_13 = vector.broadcast %div3A_9 : f32 to vector<25600xf32>
      %mul3A_14 = arith.mulf %mul3A_13, %get3A_12 : vector<25600xf32>
      %mul3A_15 = arith.constant 25600 : i32
      %mul3A_16 = arith.muli %sub3A_6, %mul3A_15 : i32
      %get3A_17 = arith.index_cast %mul3A_16 : i32 to index
      %get3A_18 = vector.load %arg10[%get3A_17] : memref<640000xf32, #tpu.memory_space<vmem>>, vector<25600xf32>
      %mul3A_19 = arith.constant 4.000000e-01 : f32
      %mul3A_20 = vector.broadcast %mul3A_19 : f32 to vector<25600xf32>
      %mul3A_21 = arith.mulf %mul3A_20, %get3A_18 : vector<25600xf32>
      %add3A_22 = arith.constant 2.000000e-01 : f32
      %add3A_23 = vector.broadcast %add3A_22 : f32 to vector<25600xf32>
      %add3A_24 = arith.addf %mul3A_21, %add3A_23 : vector<25600xf32>
      %add3A_25 = arith.addf %mul3A_14, %add3A_24 : vector<25600xf32>
      %swap3A = arith.constant 0 : index
      %swap3A_26 = vector.load %arg8[%swap3A] : memref<25600xf32, #tpu.memory_space<vmem>>, vector<25600xf32>
      tpu.vector_store %arg8[%swap3A], %add3A_25 {strides = array<i32>} : memref<25600xf32, #tpu.memory_space<vmem>>, vector<25600xf32>,
    } else {
    }
    return
  }
  func.func @transform_0(%arg0: i32) -> i32 {
    %min3A = arith.constant 24 : i32
    %min3A_0 = arith.minsi %arg0, %min3A : i32
    %c0_i32 = arith.constant 0 : i32
    return %min3A_0 : i32
  }
  func.func @transform_1(%arg0: i32) -> (i32, i32) {
    %min3A = arith.constant 24 : i32
    %min3A_0 = arith.minsi %arg0, %min3A : i32
    %c0_i32 = arith.constant 0 : i32
    %c0_i32_1 = arith.constant 0 : i32
    return %c0_i32, %min3A_0 : i32, i32
  }
  func.func @transform_2(%arg0: i32) -> (i32, i32) {
    %min3A = arith.constant 24 : i32
    %min3A_0 = arith.minsi %arg0, %min3A : i32
    %c0_i32 = arith.constant 0 : i32
    %c0_i32_1 = arith.constant 0 : i32
    return %c0_i32, %min3A_0 : i32, i32
  }
  func.func @transform_3(%arg0: i32) -> i32 {
    %min3A = arith.constant 24 : i32
    %min3A_0 = arith.minsi %arg0, %min3A : i32
    %c0_i32 = arith.constant 0 : i32
    return %min3A_0 : i32
  }
  func.func @transform_4(%arg0: i32) -> i32 {
    %min3A = arith.constant 24 : i32
    %min3A_0 = arith.minsi %arg0, %min3A : i32
    %c0_i32 = arith.constant 0 : i32
    return %min3A_0 : i32
  }
  func.func @transform_5(%arg0: i32) -> i32 {
    %min3A = arith.constant 24 : i32
    %min3A_0 = arith.minsi %arg0, %min3A : i32
    %c0_i32 = arith.constant 0 : i32
    return %min3A_0 : i32
  }
  func.func @transform_6(%arg0: i32) -> i32 {
    %min3A = arith.constant 24 : i32
    %min3A_0 = arith.minsi %arg0, %min3A : i32
    %c0_i32 = arith.constant 0 : i32
    return %min3A_0 : i32
  }
  func.func @transform_7(%arg0: i32) -> i32 {
    %sub3A = arith.constant 25 : i32
    %sub3A_0 = arith.subi %arg0, %sub3A : i32
    %max3A = arith.constant 0 : i32
    %max3A_1 = arith.maxsi %sub3A_0, %max3A : i32
    %c0_i32 = arith.constant 0 : i32
    return %max3A_1 : i32
  }
}

</mosaic_0001>

<sc_bundles>
// kernel: kernel.4.cloned.1.call-start
scs
__scs_entry_jumppad:
0x0: {  	(pc) =	sbr.rel $0x88, $3  }
0x1: {  	(tag) =	ssettag $0x0;
	lr =	simm.s32 $0x1  }
0x2: {  	[smem:$0x3F9A] =	sst lr;
	_ =	strace $0xD0000000  }
0x3: {  	_ = 	snop  }
0x4: {  	_ = 	snop  }
0x5: {  	_ = 	snop  }
0x6: {  	_ = 	snop  }
0x7: {  	_ = 	snop  }
__scs_overlays_trampoline_lowered:
0x8: {  	[smem:$0x3FA9] =	sst s0  }
0x9: {  	[smem:$0x3FAA] =	sst s1  }
0xa: {  	[smem:$0x3FAB] =	sst s2  }
0xb: {  	[smem:$0x3FAC] =	sst s3  }
0xc: {  	[smem:$0x3FAD] =	sst s4  }
0xd: {  	[smem:$0x3FAE] =	sst s5  }
0xe: {  	[smem:$0x3FAF] =	sst s6  }
0xf: {  	[smem:$0x3FB0] =	sst s7  }
0x10: {  	[smem:$0x3FB1] =	sst s8  }
0x11: {  	[smem:$0x3FB2] =	sst s9;
	s0 =	simm.s32 @!p0 $0x0  }
0x12: {  	s1 =	sld [smem:$0x3F98];
	s0 =	simm.s32 @p0 $0x1  }
0x13: {  	[smem:$0x3FB3] =	sst s0;
	s0 =	simm.s32 @!p1 $0x0  }
0x14: {  	s2 =	sld [smem:$0x3F97];
	s0 =	simm.s32 @p1 $0x1  }
0x15: {  	[smem:$0x3FB4] =	sst s0;
	s0 =	simm.s32 @!p2 $0x0  }
0x16: {  	s3 =	sld [smem:$0x3FDB];
	s0 =	simm.s32 @p2 $0x1  }
0x17: {  	s4 =	simm.s32 $0x1BF5;
	[smem:$0x3FB6] =	sst s0  }
0x18: {  	s0 =	sld [smem:$0x3F99];
	_ =	swait.ge [sflag:s4], $0x0  }
0x19: {  	s7 =	sld [smem:$0x3F9A]  }
0x1a: {  	s8 =	sadd.s32 $0xFFFFE003, lr  }
0x1b: {  	s9 =	sadd.s32 $0xFFFFFEF7, lr;
	s5 =	simm.s32 $0xFFFFFFFF;
	p2 =	slt.u32 s8, $0xFFFFF086  }
0x1c: {  	p1 =	slt.u32 s9, $0xF7A;
	s5 =	simm.s32 @!p2 $0x0  }
0x1d: {  	s5 =	simm.s32 @p1 $0x1;
	p0 =	seq.s32 s7, s2  }
0x1e: {  	s7 =	smul.u32 @!p0 $0xF7A, s2;
	p2 =	seq.s32 @!p0 s5, $0x0  }
0x1f: {  	s9 =	smul.u32 $0xF7A, s1;
	s8 =	simm.s32 @!p0 $0x1BF5;
	p2 =	por !p2, p0  }
0x20: {  	[sflag:s8] =	ssyncset.s32 @!p0 $0xFFFFF086;
	s6 =	sadd.s32 @!p0 s3, s7;
	s7 =	simm.s32 @!p0 $0x108  }
0x21: {  	s3 =	sadd.s32 s3, s9;
	s6 =	sadd.s32 @!p0 $0x88, s6;
	s7 =	simm.s32 @p2 $0x1082  }
0x22: {  	[simem:s7], [sflag:s8] =	dma.local @!p0 [hbm:s6], $0xF7A  }
0x23: {  	s9 =	sor.u32 $0xD0000000, s2;
	s6 =	simm.s32 $0x108;
	_ =	swait.ge @!p0 [sflag:s8], $0x0  }
0x24: {  	s3 =	sadd.s32 $0x88, s3;
	s6 =	simm.s32 @!p1 $0x1082;
	[sflag:s4] =	ssyncset.s32 $0xFFFFF086  }
0x25: {  	[simem:s6], [sflag:s4] =	dma.local [hbm:s3], $0xF7A  }
0x26: {  	[smem:$0x3F9A] =	sst s1;
	(tag) =	ssettag s2;
	_ =	strace s9  }
0x27: {  	s1 =	sld [smem:$0x3FAA]  }
0x28: {  	s2 =	sld [smem:$0x3FAB]  }
0x29: {  	s4 =	sld [smem:$0x3FAD]  }
0x2a: {  	p0 =	seq.s32 s5, $0x0;
	s5 =	sld [smem:$0x3FAE]  }
0x2b: {  	s6 =	sld [smem:$0x3FAF]  }
0x2c: {  	s7 =	sld [smem:$0x3FB0]  }
0x2d: {  	s3 =	simm.s32 $0x108;
	s8 =	sld [smem:$0x3FB1]  }
0x2e: {  	s3 =	simm.s32 @!p0 $0x1082;
	s9 =	sld [smem:$0x3FB2]  }
0x2f: {  	lr =	sadd.s32 s0, s3;
	s0 =	sld [smem:$0x3FA9]  }
0x30: {  	s3 =	sld [smem:$0x3FAC]  }
0x31: {  	[smem:$0x3FB5] =	sst s10  }
0x32: {  	s10 =	sld [smem:$0x3FB3];
	_ =	sdelay $0x3  }
0x33: {  	p0 =	seq.s32 s10, $0x1;
	s10 =	sld [smem:$0x3FB5];
	_ =	sdelay $0x3  }
0x34: {  	[smem:$0x3FB5] =	sst s10  }
0x35: {  	s10 =	sld [smem:$0x3FB4];
	_ =	sdelay $0x3  }
0x36: {  	p1 =	seq.s32 s10, $0x1;
	s10 =	sld [smem:$0x3FB5];
	_ =	sdelay $0x3  }
0x37: {  	[smem:$0x3FB5] =	sst s10  }
0x38: {  	s10 =	sld [smem:$0x3FB6]  }
0x39: {  	_ = 	snop;
	(pc) =	sbr.ind lr, $3  }
0x3a: {  	_ = 	snop  }
0x3b: {  	_ = 	snop  }
0x3c: {  	p2 =	seq.s32 s10, $0x1;
	s10 =	sld [smem:$0x3FB5]  }
0x3d: {  	_ =	shalt  }
0x3e: {  	_ =	shalt  }
0x3f: {  	_ =	shalt  }
0x40: {  	_ =	shalt  }
0x41: {  	_ =	shalt  }
0x42: {  	_ =	shalt  }
0x43: {  	_ =	shalt  }
0x44: {  	_ =	shalt  }
0x45: {  	_ =	shalt  }
0x46: {  	_ =	shalt  }
0x47: {  	_ =	shalt  }
0x48: {  	_ =	shalt  }
0x49: {  	_ =	shalt  }
0x4a: {  	_ =	shalt  }
0x4b: {  	_ =	shalt  }
0x4c: {  	_ =	shalt  }
0x4d: {  	_ =	shalt  }
0x4e: {  	_ =	shalt  }
0x4f: {  	_ =	shalt  }
0x50: {  	_ =	shalt  }
0x51: {  	_ =	shalt  }
0x52: {  	_ =	shalt  }
0x53: {  	_ =	shalt  }
0x54: {  	_ =	shalt  }
0x55: {  	_ =	shalt  }
0x56: {  	_ =	shalt  }
0x57: {  	_ =	shalt  }
0x58: {  	_ =	shalt  }
0x59: {  	_ =	shalt  }
0x5a: {  	_ =	shalt  }
0x5b: {  	_ =	shalt  }
0x5c: {  	_ =	shalt  }
0x5d: {  	_ =	shalt  }
0x5e: {  	_ =	shalt  }
0x5f: {  	_ =	shalt  }
0x60: {  	_ =	shalt  }
0x61: {  	_ =	shalt  }
0x62: {  	_ =	shalt  }
0x63: {  	_ =	shalt  }
0x64: {  	_ =	shalt  }
0x65: {  	_ =	shalt  }
0x66: {  	_ =	shalt  }
0x67: {  	_ =	shalt  }
0x68: {  	_ =	shalt  }
0x69: {  	_ =	shalt  }
0x6a: {  	_ =	shalt  }
0x6b: {  	_ =	shalt  }
0x6c: {  	_ =	shalt  }
0x6d: {  	_ =	shalt  }
0x6e: {  	_ =	shalt  }
0x6f: {  	_ =	shalt  }
0x70: {  	_ =	shalt  }
0x71: {  	_ =	shalt  }
0x72: {  	_ =	shalt  }
0x73: {  	_ =	shalt  }
0x74: {  	_ =	shalt  }
0x75: {  	_ =	shalt  }
0x76: {  	_ =	shalt  }
0x77: {  	_ =	shalt  }
0x78: {  	_ =	shalt  }
0x79: {  	_ =	shalt  }
0x7a: {  	_ =	shalt  }
0x7b: {  	_ =	shalt  }
0x7c: {  	_ =	shalt  }
0x7d: {  	_ =	shalt  }
0x7e: {  	_ =	shalt  }
0x7f: {  	_ =	shalt  }
0x80: {  	_ =	shalt  }
0x81: {  	_ =	shalt  }
0x82: {  	_ =	shalt  }
0x83: {  	_ =	shalt  }
0x84: {  	_ =	shalt  }
0x85: {  	_ =	shalt  }
0x86: {  	_ =	shalt  }
0x87: {  	_ =	shalt  }
.Lfunc_end0:
.L_simem_size_0:
called_computation_lowered:
.L_overlay_start_0:
0x88: {  	s2 =	sld [smem:$0x3FD9]  }
0x89: {  	s3 =	sld [smem:$0x3FFE];
	_ =	sdelay $0x1  }
0x8a: {  	s1 =	srdreg.scid  }
0x8b: {  	s0 =	sand.u32 $0x1, s1  }
0x8c: {  	s15 =	sshll.u32 s0, $0xA;
	s2 =	sadd.s32 s3, s2  }
0x8d: {  	s2 =	sadd.s32 s2, s15  }
0x8e: {  	[smem:$0x3FC1] =	sst s2  }
0x8f: {  	_ = 	snop  }
0x90: {  	s2 =	sld [smem:$0x3FD0];
	_ =	sdelay $0x1  }
0x91: {  	s16 =	sld [smem:$0x3FC6]  }
0x92: {  	s5 =	simm.s32 $0xA;
	s6 =	simm.s32 $0x10;
	s4 =	sld [smem:$0x3FC3]  }
0x93: {  	[smem:s6], [sflag:s5] =	dma.local [hbm:s2], $0x1  }
0x94: {  	_ =	swait.eq [sflag:s5], $0x1  }
0x95: {  	[sflag:s5] =	ssyncset.done $0x0  }
0x96: {  	[sflag:s5] =	ssyncadd.s32 $0xFFFFFFFF  }
0x97: {  	s17 =	sld [smem:$0x13];
	(tm) =	ssettm $0x1  }
0x98: {  	s18 =	sld [smem:$0x3FFB];
	_ =	sdelay $0x3  }
0x99: {  	_ =	strace s18  }
0x9a: {  	s5 =	sld [smem:$0x3FFC];
	_ =	sdelay $0x3  }
0x9b: {  	_ =	strace s5  }
0x9c: {  	s5 =	sld [smem:$0x3FFD];
	_ =	sdelay $0x3  }
0x9d: {  	_ =	strace s5  }
0x9e: {  	_ =	strace $0x8FFFFFFF  }
0x9f: {  	s19 =	sld [smem:$0x3FDB];
	_ =	sdelay $0x1  }
0xa0: {  	s20 =	simm.s32 $_scs_section_size  }
0xa1: {  	s7 =	simm.s32 $_size__tile_overlayer_lowered;
	s8 =	simm.s32 $_tile_overlayer_lowered  }
0xa2: {  	s23 =	simm.s32 $0x1BFF;
	s22 =	sshll.u32 s8, $0x1;
	s5 =	sadd.s32 s20, s19  }
0xa3: {  	s9 =	simm.s32 $0x0;
	s21 =	sshll.u32 s7, $0x1;
	s7 =	sadd.s32 s22, s5  }
0xa4: {  	[timem:s9], [sflag:s23] =	dma.local [hbm:s7], s21  }
0xa5: {  	_ =	swait.ge [sflag:s23], s21  }
0xa6: {  	s6 =	ssub.s32 $0x0, s21;
	[sflag:s23] =	ssyncset.done $0x0  }
0xa7: {  	[sflag:s23] =	ssyncadd.s32 s6;
	_ =	sdelay $0x1  }
0xa8: {  	s24 =	simm.s32 $0x1B8B  }
0xa9: {  	_ =	swait.ge [sflag:s24], $0x1  }
0xaa: {  	[sflag:s24] =	ssyncset.done $0x0  }
0xab: {  	s25 =	simm.s32 $0x1B8E;
	[sflag:s24] =	ssyncadd.s32 $0xFFFFFFFF  }
0xac: {  	s26 =	simm.s32 $execute0_lowered;
	[smem:$0x3FD2] =	sst s25  }
0xad: {  	s6 =	sshll.u32 s26, $0x1;
	_ =	strace $0x80000046;
	[dreg:$0x1] =	wrdreg $0xFFFFFFFF  }
0xae: {  	s28 =	simm.s32 $_size_execute0_lowered;
	s5 =	sadd.s32 s5, s6;
	[dreg:$0x0] =	wrdreg $0x0  }
0xaf: {  	s6 =	sshll.u32 s28, $0x1;
	[dreg:$0x2] =	wrdreg s5  }
0xb0: {  	[dreg:$0x3] =	wrdreg s6  }
0xb1: {  	[dreg:$0x4] =	wrdreg $0xC0  }
0xb2: {  	_ =	task [dreg:s9], $0x5FFFF  }
0xb3: {  	[dreg:$0x1] =	wrdreg $0xFFFFFFFF  }
0xb4: {  	[dreg:$0x0] =	wrdreg $0x60  }
0xb5: {  	[dreg:$0x2] =	wrdreg s4  }
0xb6: {  	[dreg:$0x3] =	wrdreg s16  }
0xb7: {  	[dreg:$0x4] =	wrdreg s17  }
0xb8: {  	[dreg:$0x5] =	wrdreg $0x9  }
0xb9: {  	_ =	task.clear_ibuf [dreg:s9], $0x6FFFF;
	_ =	strace $0x90000046  }
0xba: {  	s29 =	simm.s32 $0x9;
	_ =	strace $0x80000048  }
0xbb: {  	_ =	swait.ge [sflag:s29], $0x1  }
0xbc: {  	[sflag:s29] =	ssyncadd.s32 $0xFFFFFFFF  }
0xbd: {  	_ =	strace $0x90000048  }
0xbe: {  	_ =	sfence  }
0xbf: {  	s30 =	sld [smem:$0x0];
	_ =	sdelay $0x2  }
0xc0: {  	s31 =	sshll.u32 s1, $0xD;
	s1 =	sshrl.u32 s1, $0x2  }
0xc1: {  	s3 =	sand.u32 $0x4000, s31;
	s1 =	sadd.s32 s1, s30  }
0xc2: {  	s0 =	sor.u32 s3, s0;
	s1 =	sshll.u32 s1, $0x11  }
0xc3: {  	s0 =	sor.u32 s1, s0  }
0xc4: {  	s0 =	sadd.s32 $0x8F2B, s0  }
0xc5: {  	[sflag:s0] =	ssyncadd.remote.s32 $0x1  }
0xc6: {  	_ =	sfence.sel $0xFFFF  }
0xc7: {  	[dreg:$0x0] =	wrdreg $0xFFFFFFFF;
	(pc) =	sbr.abs _section_cstart, $3  }
0xc8: {  	[dreg:$0x1] =	wrdreg $0xFFFFFFFF  }
0xc9: {  	_ =	task.clear_ibuf [dreg:s9], $0x2FFFF;
	_ =	strace $0x9FFFFFFF  }
0xca: {  	(tm) =	ssettm $0x7FFFFFFF  }
0xcb: {  	_ =	shalt  }
tec
execute0_lowered:
.L_overlay_start_1:
0x0: {  	(tag) =	ssettag $0x1  }
0x1: {  	s1 =	rddreg [dreg:$0x0]  }
0x2: {  	s3 =	rddreg [dreg:$0x1];
	s2 =	srdreg.scid  }
0x3: {  	s0 =	stileid.u32;
	s4 =	rddreg [dreg:$0x2];
	s6 =	simm.s32 $0x0  }
0x4: {  	s10 =	simm.s32 $0x3;
	s11 =	simm.s32 $0x1;
	s12 =	simm.s32 $0xC800  }
0x5: {  	s13 =	simm.s32 $0x2;
	s7 =	sand.u32 $0x1, s2;
	s5 =	sshll.u32 s0, $0x1  }
.Ltmp0:
0x6: {  	s5 =	sor.u32 s7, s5;
	s7 =	ssub.s32 $0x2, s7;
	(pc) =	sbr.rel .LBB2_1-.Ltmp0, $4  }
0x7: {  	s14 =	simm.s32 $0x0;
	s8 =	smul.u32 $0x1900, s5;
	s9 =	sshrl.u32 s7, $0x1  }
0x8: {  	[smem:$0x7FF] =	sst s6;
	p0 =	sgt.u32 s0, $0x7;
	s9 =	ssub.s32 s7, s9  }
0x9: {  	s7 =	sadd.s32 s1, s8;
	s8 =	smax.u32 s9, $0x1;
	s9 =	simm.s32 $0x3  }
0xa: {  	s2 =	rddreg [dreg:$0x3];
	_ =	strace $0x80000047;
	s9 =	simm.s32 @!p0 $0x4  }
.LBB2_21:
0xb: {  	s14 =	sadd.s32 $0x1, s14  }
0xc: {  	p0 =	sne.s32 s14, s8  }
.Ltmp1:
0xd: {  	_ = 	snop;
	(pc) =	sbr.rel @!p0 .LBB2_22-.Ltmp1, $1  }
0xe: {  	_ =	sdelay $0x3  }
.LBB2_1:
.Ltmp2:
0xf: {  	(pc) =	sbr.rel .LBB2_2-.Ltmp2, $3  }
0x10: {  	_ =	sdelay $0x1  }
0x11: {  	[tilespmem:s6], [sflag:$0x1] =	stream.linear.gather [hbm4b:s7+s6], $0xC800, $0x38;
	[tilespmem:$0x19000] =	vst v63  }
0x12: {  	s15 =	simm.s32 $0x0  }
.LBB2_11:
0x13: {  	p0 =	sgt.u32 s17, $0x48F  }
0x14: {  	s16 =	sadd.s32 @!p0 $0x40, s16  }
0x15: {  	s17 =	sand.u32 @!p0 $0xFFFC, s16  }
0x16: {  	s17 =	sshrl.u32 @!p0 s17, $0x2  }
0x17: {  	s17 =	smul.u32 @!p0 $0x147B, s17;
	_ =	sdelay $0x1  }
0x18: {  	s17 =	sshrl.u32 @!p0 s17, $0x11  }
0x19: {  	s19 =	smul.u32 @!p0 $0x64, s17;
	_ =	sdelay $0x1  }
0x1a: {  	s16 =	ssub.s32 @!p0 s16, s19  }
0x1b: {  	s17 =	smul.u32 @!p0 $0x4E2000, s17;
	s16 =	sand.u32 @!p0 $0xFFFF, s16  }
0x1c: {  	s18 =	sadd.s32 s4, s18;
	s16 =	smul.u32 @!p0 $0xC800, s16  }
0x1d: {  	[hbm4b:s18+s6] =	stream.linear.scatter [tilespmem:s12], [sflag:$0x4], $0xC800, $0x38;
	[tilespmem:$0x19000] =	vst v63  }
0x1e: {  	_ =	swait.ge [sflag:s10], $0xC800;
	s16 =	sadd.s32 @!p0 s16, s17  }
0x1f: {  	[sflag:s10] =	ssyncset.done $0x0;
	s16 =	sshrl.u32 @!p0 s16, $0x3  }
0x20: {  	[sflag:s10] =	ssyncadd.s32 $0xFFFF3800;
	s17 =	simm.s32 @!p0 $0x0;
	s16 =	sadd.s32 @!p0 s1, s16  }
0x21: {  	[tilespmem:s17], [sflag:$0x1] =	stream.linear.gather @!p0 [hbm4b:s16+s17], $0xC800, $0x38;
	[tilespmem:$0x19000] =	vst v63  }
.LBB2_12:
0x22: {  	s15 =	sadd.s32 $0x1, s15  }
0x23: {  	p0 =	sne.s32 s15, $0x13  }
.Ltmp3:
0x24: {  	_ = 	snop;
	(pc) =	sbr.rel @!p0 .LBB2_13-.Ltmp3, $1  }
0x25: {  	_ =	sdelay $0x3  }
.LBB2_2:
0x26: {  	s16 =	sshll.u32 s15, $0x6  }
0x27: {  	s16 =	sor.u32 s5, s16  }
0x28: {  	s17 =	sand.u32 $0xFFDC, s16  }
0x29: {  	s17 =	sshrl.u32 s17, $0x2  }
0x2a: {  	s17 =	smul.u32 $0x147B, s17  }
0x2b: {  	p0 =	sgt.u32 s16, $0x63  }
.Ltmp4:
0x2c: {  	s17 =	sshrl.u32 s17, $0x11;
	(pc) =	sbr.rel @p0 .LBB2_6-.Ltmp4, $4  }
0x2d: {  	s18 =	smul.u32 $0x64, s17  }
0x2e: {  	_ =	swait.ge [sflag:s11], $0xC800  }
0x2f: {  	[sflag:s11] =	ssyncset.done $0x0;
	s18 =	ssub.s32 s16, s18  }
0x30: {  	[sflag:s11] =	ssyncadd.s32 $0xFFFF3800;
	s18 =	sand.u32 $0xFFFF, s18  }
0x31: {  	s19 =	smul.u32 $0x320, s18;
	_ =	sdelay $0x1  }
0x32: {  	s20 =	simm.s32 $0x0;
	s19 =	sadd.s32 s3, s19  }
0x33: {  	s21 =	simm.s32 $0x10;
	s22 =	simm.s32 $0x400;
	s23 =	sadd.s32 $0x0, s19  }
.LBB2_4:
0x34: {  	[tilespmem:s20], [sflag:$0x1] =	stream.linear.gather [hbm4b:s23+s6], $0x80, $0x38;
	[tilespmem:$0x19000] =	vst v63  }
0x35: {  	s23 =	smov.u32 s21;
	s20 =	smov.u32 s22;
	p0 =	sne.s32 s21, $0x310  }
.Ltmp5:
0x36: {  	s21 =	sadd.s32 $0x10, s21;
	(pc) =	sbr.rel @p0 .LBB2_4-.Ltmp5, $2  }
0x37: {  	_ =	sdelay $0x2  }
0x38: {  	s22 =	sadd.s32 $0x400, s22;
	s23 =	sadd.s32 s23, s19  }
0x39: {  	[tilespmem:s20], [sflag:$0x1] =	stream.linear.gather [hbm4b:s23+s6], $0x80, $0x38;
	[tilespmem:$0x19000] =	vst v63  }
0x3a: {  	_ =	swait.ge [sflag:s11], $0x1900  }
0x3b: {  	[sflag:s11] =	ssyncset.done $0x0  }
0x3c: {  	[sflag:s11] =	ssyncadd.s32 $0xFFFFE700  }
.LBB2_6:
0x3d: {  	s17 =	smul.u32 $0x4E2000, s17  }
0x3e: {  	s18 =	smul.u32 $0xC800, s18;
	_ =	sdelay $0x1  }
0x3f: {  	s17 =	sadd.s32 s18, s17  }
0x40: {  	s17 =	sshrl.u32 s17, $0x3  }
0x41: {  	s17 =	sadd.s32 s4, s17  }
0x42: {  	[hbm4b:s17+s6] =	stream.linear.scatter [tilespmem:s6], [sflag:$0x3], $0xC800, $0x38;
	[tilespmem:$0x19000] =	vst v63  }
0x43: {  	s17 =	sor.u32 $0x20, s16  }
0x44: {  	p1 =	sgt.u32 s17, $0x4AF  }
.Ltmp6:
0x45: {  	p0 =	seq.s32 s15, $0x0;
	(pc) =	sbr.rel @p1 .LBB2_12-.Ltmp6, $4  }
0x46: {  	s18 =	simm.s32 @!p0 $0x4  }
0x47: {  	_ =	swait.ge @!p0 [sflag:s18], $0xC800  }
0x48: {  	[sflag:s18] =	ssyncset.done @!p0 $0x0  }
0x49: {  	[sflag:s18] =	ssyncadd.s32 @!p0 $0xFFFF3800  }
0x4a: {  	s18 =	sand.u32 $0xFFFC, s17  }
0x4b: {  	s18 =	sshrl.u32 s18, $0x2  }
0x4c: {  	s18 =	smul.u32 $0x147B, s18;
	_ =	sdelay $0x1  }
0x4d: {  	s18 =	sshrl.u32 s18, $0x11  }
0x4e: {  	s19 =	smul.u32 $0x64, s18;
	_ =	sdelay $0x1  }
0x4f: {  	s19 =	ssub.s32 s17, s19  }
0x50: {  	s18 =	smul.u32 $0x4E2000, s18;
	s19 =	sand.u32 $0xFFFF, s19  }
0x51: {  	s20 =	smul.u32 $0xC800, s19;
	_ =	sdelay $0x1  }
0x52: {  	s18 =	sadd.s32 s20, s18  }
0x53: {  	p0 =	sgt.u32 s17, $0x63;
	s18 =	sshrl.u32 s18, $0x3  }
.Ltmp7:
0x54: {  	s31 =	sadd.s32 s1, s18;
	(pc) =	sbr.rel @p0 .LBB2_11-.Ltmp7, $4  }
0x55: {  	[tilespmem:s12], [sflag:$0x2] =	stream.linear.gather [hbm4b:s31+s6], $0xC800, $0x38;
	[tilespmem:$0x19000] =	vst v63  }
0x56: {  	_ =	swait.ge [sflag:s13], $0xC800  }
0x57: {  	[sflag:s13] =	ssyncset.done $0x0  }
0x58: {  	[sflag:s13] =	ssyncadd.s32 $0xFFFF3800  }
0x59: {  	s19 =	smul.u32 $0x320, s19;
	_ =	sdelay $0x1  }
0x5a: {  	s20 =	simm.s32 $0xC800;
	s19 =	sadd.s32 s3, s19  }
0x5b: {  	s21 =	simm.s32 $0x10;
	s22 =	simm.s32 $0xCC00;
	s23 =	sadd.s32 $0x0, s19  }
.LBB2_9:
0x5c: {  	[tilespmem:s20], [sflag:$0x2] =	stream.linear.gather [hbm4b:s23+s6], $0x80, $0x38;
	[tilespmem:$0x19000] =	vst v63  }
0x5d: {  	s23 =	smov.u32 s21;
	s20 =	smov.u32 s22;
	p0 =	sne.s32 s21, $0x310  }
.Ltmp8:
0x5e: {  	s21 =	sadd.s32 $0x10, s21;
	(pc) =	sbr.rel @p0 .LBB2_9-.Ltmp8, $2  }
0x5f: {  	_ =	sdelay $0x2  }
0x60: {  	s22 =	sadd.s32 $0x400, s22;
	s23 =	sadd.s32 s23, s19  }
.Ltmp9:
0x61: {  	(pc) =	sbr.rel .LBB2_11-.Ltmp9, $4  }
0x62: {  	[tilespmem:s20], [sflag:$0x2] =	stream.linear.gather [hbm4b:s23+s6], $0x80, $0x38;
	[tilespmem:$0x19000] =	vst v63  }
0x63: {  	_ =	swait.ge [sflag:s13], $0x1900  }
0x64: {  	[sflag:s13] =	ssyncset.done $0x0  }
0x65: {  	[sflag:s13] =	ssyncadd.s32 $0xFFFFE700  }
.LBB2_13:
.Ltmp10:
0x66: {  	(pc) =	sbr.rel .LBB2_14-.Ltmp10, $4  }
0x67: {  	_ = 	snop  }
0x68: {  	_ =	swait.ge [sflag:s9], $0xC800  }
0x69: {  	[sflag:s9] =	ssyncset.done $0x0  }
0x6a: {  	s15 =	simm.s32 $0x0;
	[sflag:s9] =	ssyncadd.s32 $0xFFFF3800  }
.LBB2_20:
0x6b: {  	s15 =	sadd.s32 $0x1, s15  }
0x6c: {  	p0 =	sne.s32 s15, $0x4  }
.Ltmp11:
0x6d: {  	_ = 	snop;
	(pc) =	sbr.rel @!p0 .LBB2_21-.Ltmp11, $1  }
0x6e: {  	_ =	sdelay $0x3  }
.LBB2_14:
0x6f: {  	s16 =	sshll.u32 s15, $0x5  }
0x70: {  	s16 =	sor.u32 s5, s16  }
0x71: {  	p0 =	sgt.u32 s16, $0x63  }
.Ltmp12:
0x72: {  	_ = 	snop;
	(pc) =	sbr.rel @p0 .LBB2_20-.Ltmp12, $1  }
0x73: {  	_ =	sdelay $0x3  }
0x74: {  	s16 =	smul.u32 $0xC800, s16;
	_ =	sdelay $0x1  }
0x75: {  	s16 =	sshrl.u32 s16, $0x3  }
0x76: {  	s16 =	sadd.s32 $0x753000, s16  }
0x77: {  	s18 =	simm.s32 $0x0;
	s17 =	sadd.s32 s1, s16  }
0x78: {  	s19 =	simm.s32 $0x80;
	s20 =	simm.s32 $0x400;
	s21 =	sadd.s32 $0x0, s17  }
.LBB2_16:
0x79: {  	[tilespmem:s18], [sflag:$0x1] =	stream.linear.gather [hbm4b:s21+s6], $0x200, $0x38;
	[tilespmem:$0x19000] =	vst v63  }
0x7a: {  	s21 =	smov.u32 s19;
	s18 =	smov.u32 s20;
	p0 =	sne.s32 s19, $0x1880  }
.Ltmp13:
0x7b: {  	s19 =	sadd.s32 $0x80, s19;
	(pc) =	sbr.rel @p0 .LBB2_16-.Ltmp13, $2  }
0x7c: {  	_ =	sdelay $0x2  }
0x7d: {  	s20 =	sadd.s32 $0x400, s20;
	s21 =	sadd.s32 s21, s17  }
0x7e: {  	[tilespmem:s18], [sflag:$0x1] =	stream.linear.gather [hbm4b:s21+s6], $0x200, $0x38;
	[tilespmem:$0x19000] =	vst v63  }
0x7f: {  	s16 =	sadd.s32 s4, s16;
	_ =	swait.ge [sflag:s11], $0x6400  }
0x80: {  	s17 =	simm.s32 $0x0;
	s18 =	simm.s32 $0x80;
	[sflag:s11] =	ssyncset.done $0x0  }
0x81: {  	s19 =	simm.s32 $0x400;
	s20 =	sadd.s32 $0x0, s16;
	[sflag:s11] =	ssyncadd.s32 $0xFFFF9C00  }
.LBB2_18:
0x82: {  	[hbm4b:s20+s6] =	stream.linear.scatter [tilespmem:s17], [sflag:$0x1], $0x200, $0x38;
	[tilespmem:$0x19000] =	vst v63  }
0x83: {  	s20 =	smov.u32 s18;
	s17 =	smov.u32 s19;
	p0 =	sne.s32 s18, $0x1880  }
.Ltmp14:
0x84: {  	s18 =	sadd.s32 $0x80, s18;
	(pc) =	sbr.rel @p0 .LBB2_18-.Ltmp14, $2  }
0x85: {  	_ =	sdelay $0x2  }
0x86: {  	s19 =	sadd.s32 $0x400, s19;
	s20 =	sadd.s32 s20, s16  }
.Ltmp15:
0x87: {  	(pc) =	sbr.rel .LBB2_20-.Ltmp15, $4  }
0x88: {  	[hbm4b:s20+s6] =	stream.linear.scatter [tilespmem:s17], [sflag:$0x1], $0x200, $0x38;
	[tilespmem:$0x19000] =	vst v63  }
0x89: {  	_ =	swait.ge [sflag:s11], $0x6400  }
0x8a: {  	[sflag:s11] =	ssyncset.done $0x0  }
0x8b: {  	[sflag:s11] =	ssyncadd.s32 $0xFFFF9C00  }
.LBB2_22:
0x8c: {  	_ =	sfence.sel $0x180000  }
0x8d: {  	[bflag:$0x0] =	sbarrier.arrive $0xFFFF  }
0x8e: {  	p0 =	sne.s32 s0, $0x0;
	_ =	strace $0x90000047  }
0x8f: {  	s0 =	sadd.s32 @!p0 $0x100000, s2;
	[bflag:$0x2] =	sbarrier.arrive $0xFFFF  }
0x90: {  	[sflag:s0] =	ssyncadd.tile.s32 @!p0 $0x1;
	_ =	shalt  }
.Lfunc_end2:
_tile_overlayer_lowered:
.L_overlay_start_2:
0x91: {  	(tag) =	ssettag $0x2  }
0x92: {  	s0 =	rddreg [dreg:$0x0];
	s2 =	stileid.u32  }
0x93: {  	s1 =	rddreg [dreg:$0x1];
	p0 =	sne.s32 s2, $0x0  }
0x94: {  	s3 =	rddreg [dreg:$0x2];
	[bflag:$0x3] =	sbarrier.arrive $0xFFFF;
	s2 =	simm.s32 @!p0 $0x1C05  }
0x95: {  	[timem:s3], [sflag:s2] =	dma.local @!p0 [hbm:s0], s1  }
0x96: {  	s0 =	simm.s32 @!p0 $0x5  }
0x97: {  	_ =	swait.ge @!p0 [sflag:s0], s1  }
0x98: {  	s1 =	ssub.s32 @!p0 $0x0, s1;
	[sflag:s0] =	ssyncset.done @!p0 $0x0  }
0x99: {  	[sflag:s0] =	ssyncadd.s32 @!p0 s1  }
0x9a: {  	[bflag:$0x3] =	sbarrier.arrive $0xFFFF  }
0x9b: {  	_ =	shalt  }

</sc_bundles>
